<compile_context>
chip_gen: v7x
topology: tpu7x:2x2x1
jax: 0.10.2.dev20260603
libtpu: 0.0.44.dev20260713+nightly
codegen_flags: <defaults>
</compile_context>

<pallas_src>
import jax
import jax.numpy as jnp
from jax import lax
from jax.experimental import pallas as pl
from jax.experimental.pallas import tpu as pltpu
from jax.experimental.pallas import tpu_sc as plsc

T = 2048
D = 1024
F = 4096
E = 8
K = 2
A = T * K
B_TILE = 128
P = 5120
NT = P // B_TILE
NT_PAD = 48
NC = 4
FC = F // NC
NW = 32
ROWS_W = P // NW
GCH = 32
TOK_W = T // NW
TCH = 32


def _cumsum0(m):
    n = m.shape[0]
    s = 1
    while s < n:
        shifted = jnp.concatenate(
            [jnp.zeros((s, m.shape[1]), m.dtype), m[: n - s, :]], axis=0)
        m = m + shifted
        s *= 2
    return m


def _plan_body(lg_ref, posf_ref, wf_ref, te_ref):
    logits = lg_ref[...]
    lane = lax.broadcasted_iota(jnp.int32, (T, E), 1)
    m0 = jnp.max(logits, axis=1, keepdims=True)
    i0 = jnp.min(jnp.where(logits == m0, lane, E), axis=1, keepdims=True)
    masked = jnp.where(lane == i0, jnp.float32(-1e30), logits)
    m1 = jnp.max(masked, axis=1, keepdims=True)
    i1 = jnp.min(jnp.where(masked == m1, lane, E), axis=1, keepdims=True)
    w0 = 1.0 / (1.0 + jnp.exp(m1 - m0))
    wf_ref[...] = jnp.concatenate([w0, 1.0 - w0], axis=0)

    oh0 = (i0 == lane).astype(jnp.int32)
    oh1 = (i1 == lane).astype(jnp.int32)
    c0 = _cumsum0(oh0)
    cnt0 = c0[T - 1:T, :]
    c1 = _cumsum0(oh1) + cnt0
    cnt = c1[T - 1:T, :]
    tiles = (cnt + (B_TILE - 1)) // B_TILE

    sub8 = lax.broadcasted_iota(jnp.int32, (E, E), 0)
    lan8 = lax.broadcasted_iota(jnp.int32, (E, E), 1)
    tiles_col = jnp.sum(
        jnp.where(sub8 == lan8, jnp.broadcast_to(tiles, (E, E)), 0),
        axis=1, keepdims=True)
    tile_start = jnp.sum(
        jnp.where(sub8 < lan8, jnp.broadcast_to(tiles_col, (E, E)), 0),
        axis=0, keepdims=True)
    pstart = tile_start * B_TILE
    n_act = jnp.sum(tiles, axis=1, keepdims=True)

    rank0 = jnp.sum(oh0 * (c0 - 1), axis=1, keepdims=True)
    base0 = jnp.sum(oh0 * jnp.broadcast_to(pstart, (T, E)), axis=1,
                    keepdims=True)
    rank1 = jnp.sum(oh1 * (c1 - 1), axis=1, keepdims=True)
    base1 = jnp.sum(oh1 * jnp.broadcast_to(pstart, (T, E)), axis=1,
                    keepdims=True)
    posf_ref[...] = jnp.concatenate([rank0 + base0, rank1 + base1], axis=0)

    t_iota = lax.broadcasted_iota(jnp.int32, (NT_PAD, E), 0)
    te = jnp.sum((t_iota >= jnp.broadcast_to(tile_start, (NT_PAD, E)))
                 .astype(jnp.int32), axis=1, keepdims=True) - 1
    te = jnp.clip(te, 0, E - 1)
    r_iota = lax.broadcasted_iota(jnp.int32, (NT_PAD, 1), 0)
    te_full = jnp.where(r_iota == NT, jnp.broadcast_to(n_act, (NT_PAD, 1)),
                        jnp.where(r_iota < NT, te, 0))
    te_ref[...] = te_full


def _plan_call(logits):
    out_shape = (
        jax.ShapeDtypeStruct((A, 1), jnp.int32),
        jax.ShapeDtypeStruct((A, 1), jnp.float32),
        jax.ShapeDtypeStruct((NT_PAD, 1), jnp.int32),
    )
    return pl.pallas_call(_plan_body, out_shape=out_shape)(logits)


def _dispatch_body(pos_hbm, w_hbm, x_hbm, te_hbm, xs_hbm, wrow_hbm,
                   pos_v, w_v, tok_v, wr_v, nt_v, buf0, buf1, sem0, sem1):
    wid = lax.axis_index("s") * 2 + lax.axis_index("c")
    base = wid * ROWS_W
    pltpu.sync_copy(pos_hbm, pos_v)
    pltpu.sync_copy(w_hbm, w_v)
    pltpu.sync_copy(te_hbm, nt_v)
    n_total = nt_v[pl.ds((NT // 16) * 16, 16)][NT % 16] * B_TILE

    zi = jnp.zeros((16,), jnp.int32)
    zf = jnp.zeros((16,), jnp.float32)

    def _zero(i, _):
        tok_v[pl.ds(base + i * 16, 16)] = zi
        wr_v[pl.ds(base + i * 16, 16)] = zf
        return 0
    lax.fori_loop(0, ROWS_W // 16, _zero, 0, unroll=4)

    lane16 = lax.iota(jnp.int32, 16)

    def _scatter(i, _):
        idx = pos_v[pl.ds(i * 16, 16)]
        a = lane16 + i * 16
        tok = lax.bitwise_and(a, T - 1)
        plsc.store_scatter(tok_v, [idx], tok)
        plsc.store_scatter(wr_v, [idx], w_v[pl.ds(i * 16, 16)])
        return 0
    lax.fori_loop(0, A // 16, _scatter, 0, unroll=4)

    pltpu.sync_copy(wr_v.at[pl.ds(base, ROWS_W)],
                    wrow_hbm.at[pl.ds(base, ROWS_W)])

    active = n_total - base
    bufs = (buf0, buf1)
    sems = (sem0, sem1)
    nch = ROWS_W // GCH

    def _src(i):
        return x_hbm.at[tok_v.at[pl.ds(base + i * GCH, GCH)]]

    def _drain_out(j):
        @pl.when(j * GCH < active)
        def _():
            pltpu.make_async_copy(_src(j), bufs[j % 2], sems[j % 2]).wait()
            pltpu.sync_copy(bufs[j % 2],
                            xs_hbm.at[pl.ds(base + j * GCH, GCH)])

    for i in range(nch):
        @pl.when(i * GCH < active)
        def _(i=i):
            pltpu.async_copy(_src(i), bufs[i % 2], sems[i % 2])
        if i >= 1:
            _drain_out(i - 1)
    _drain_out(nch - 1)


def _dispatch_call(pos_flat, w_flat, flat, te_flat):
    mesh = plsc.VectorSubcoreMesh(core_axis_name="c", subcore_axis_name="s")
    f = pl.kernel(
        _dispatch_body,
        out_type=(jax.ShapeDtypeStruct((P, D), jnp.float32),
                  jax.ShapeDtypeStruct((P,), jnp.float32)),
        mesh=mesh,
        scratch_types=[
            pltpu.VMEM((A,), jnp.int32),
            pltpu.VMEM((A,), jnp.float32),
            pltpu.VMEM((P,), jnp.int32),
            pltpu.VMEM((P,), jnp.float32),
            pltpu.VMEM((NT_PAD,), jnp.int32),
            pltpu.VMEM((GCH, D), jnp.float32),
            pltpu.VMEM((GCH, D), jnp.float32),
            pltpu.SemaphoreType.DMA,
            pltpu.SemaphoreType.DMA,
        ],
        compiler_params=pltpu.CompilerParams(needs_layout_passes=False))
    return f(pos_flat, w_flat, flat, te_flat)


def _mlp_body(te_s, na_s, xs_ref, wg_ref, wi_ref, wo_ref, wr_ref,
              out_ref, acc_ref):
    c = pl.program_id(0)
    t = pl.program_id(1)

    @pl.when(t < na_s[0])
    def _():
        xb = xs_ref[...].astype(jnp.bfloat16)
        g = jnp.dot(xb, wg_ref[0].astype(jnp.bfloat16),
                    preferred_element_type=jnp.float32)
        u = jnp.dot(xb, wi_ref[0].astype(jnp.bfloat16),
                    preferred_element_type=jnp.float32)
        h = (g * jax.lax.logistic(g)) * u
        part = jnp.dot(h.astype(jnp.bfloat16), wo_ref[0].astype(jnp.bfloat16),
                       preferred_element_type=jnp.float32)
        sl = pl.ds(t * B_TILE, B_TILE)

        @pl.when(c == 0)
        def _a():
            acc_ref[sl, :] = part

        @pl.when(c > 0)
        def _b():
            acc_ref[sl, :] = acc_ref[sl, :] + part

        @pl.when(c == NC - 1)
        def _c():
            out_ref[...] = acc_ref[sl, :] * wr_ref[...]


def _mlp_call(te_arr, na_arr, xs, wg, wi, wo, w_row):
    grid_spec = pltpu.PrefetchScalarGridSpec(
        num_scalar_prefetch=2,
        grid=(NC, NT),
        in_specs=[
            pl.BlockSpec((B_TILE, D), lambda c, t, te, na: (t, 0)),
            pl.BlockSpec((1, D, FC), lambda c, t, te, na: (te[t], 0, c)),
            pl.BlockSpec((1, D, FC), lambda c, t, te, na: (te[t], 0, c)),
            pl.BlockSpec((1, FC, D), lambda c, t, te, na: (te[t], c, 0)),
            pl.BlockSpec((B_TILE, 1), lambda c, t, te, na: (t, 0)),
        ],
        out_specs=pl.BlockSpec((B_TILE, D), lambda c, t, te, na: (t, 0)),
        scratch_shapes=[pltpu.VMEM((P, D), jnp.float32)],
    )
    return pl.pallas_call(
        _mlp_body,
        grid_spec=grid_spec,
        out_shape=jax.ShapeDtypeStruct((P, D), jnp.float32),
        compiler_params=pltpu.CompilerParams(
            dimension_semantics=("arbitrary", "arbitrary"),
            vmem_limit_bytes=100 * 1024 * 1024),
    )(te_arr, na_arr, xs, wg, wi, wo, w_row)


def _combine_body(posf_hbm, ys_hbm, out_hbm,
                  p0_v, p1_v, r0, r1, sem0, sem1):
    wid = lax.axis_index("s") * 2 + lax.axis_index("c")
    base = wid * TOK_W

    def chunk(cix, _):
        off = base + cix * TCH
        pltpu.sync_copy(posf_hbm.at[pl.ds(off, TCH)], p0_v)
        pltpu.sync_copy(posf_hbm.at[pl.ds(T + off, TCH)], p1_v)
        cp0 = pltpu.async_copy(ys_hbm.at[p0_v], r0, sem0)
        cp1 = pltpu.async_copy(ys_hbm.at[p1_v], r1, sem1)
        cp0.wait()
        cp1.wait()

        def row(j, _):
            def vec(v, _):
                sl = pl.ds(v * 16, 16)
                r0[j, sl] = r0[j, sl] + r1[j, sl]
                return 0
            lax.fori_loop(0, D // 16, vec, 0, unroll=4)
            return 0
        lax.fori_loop(0, TCH, row, 0)
        pltpu.sync_copy(r0, out_hbm.at[pl.ds(off, TCH)])
        return 0
    lax.fori_loop(0, TOK_W // TCH, chunk, 0)


def _combine_call(pos_flat, ys):
    mesh = plsc.VectorSubcoreMesh(core_axis_name="c", subcore_axis_name="s")
    f = pl.kernel(
        _combine_body,
        out_type=jax.ShapeDtypeStruct((T, D), jnp.float32),
        mesh=mesh,
        scratch_types=[
            pltpu.VMEM((TCH,), jnp.int32),
            pltpu.VMEM((TCH,), jnp.int32),
            pltpu.VMEM((TCH, D), jnp.float32),
            pltpu.VMEM((TCH, D), jnp.float32),
            pltpu.SemaphoreType.DMA,
            pltpu.SemaphoreType.DMA,
        ],
        compiler_params=pltpu.CompilerParams(needs_layout_passes=False))
    return f(pos_flat, ys)


def kernel(x, W_router, W_gate, W_in, W_out):
    Bb, S, Dm = x.shape
    flat = x.reshape(T, D)
    logits = flat @ W_router
    posf, wf, te_full = _plan_call(logits)
    pos_flat = posf[:, 0]
    w_flat = wf[:, 0]
    xs, w_row = _dispatch_call(pos_flat, w_flat, flat, te_full[:, 0])
    te_arr = te_full[:NT, 0]
    na_arr = te_full[NT:NT + 1, 0]
    ys = _mlp_call(te_arr, na_arr, xs, W_gate, W_in, W_out,
                   w_row.reshape(P, 1))
    out = _combine_call(pos_flat, ys)
    return out.reshape(Bb, S, Dm)

# --- scband reference (transcript-rebuilt; emitter-appended) ---
"""Pipeline reference for scband-mo-e-2508260901294 (READ-ONLY COPY).

The authoritative reference and input builder live on the scoring server;
editing this copy changes nothing except your own understanding.
"""

import jax, jax.numpy as jnp
import numpy as np

D_MODEL = 1024
D_MLP = 4096
N_EXPERTS = 8
TOP_K = 2
BATCH = 1
SEQ = 2048


def setup_inputs(seed: int = 0) -> dict:
    key = jax.random.key(seed)
    ks = jax.random.split(key, 5)
    x = jax.random.normal(ks[0], (BATCH, SEQ, D_MODEL), dtype=jnp.float32)
    W_router = jax.random.normal(ks[1], (D_MODEL, N_EXPERTS), dtype=jnp.float32) * 0.02
    W_gate = jax.random.normal(ks[2], (N_EXPERTS, D_MODEL, D_MLP), dtype=jnp.float32) * 0.02
    W_in = jax.random.normal(ks[3], (N_EXPERTS, D_MODEL, D_MLP), dtype=jnp.float32) * 0.02
    W_out = jax.random.normal(ks[4], (N_EXPERTS, D_MLP, D_MODEL), dtype=jnp.float32) * 0.02
    return {"x": x, "W_router": W_router, "W_gate": W_gate, "W_in": W_in, "W_out": W_out}


def reference(x, W_router, W_gate, W_in, W_out):
    B, S, D = x.shape
    E = W_router.shape[1]
    K = TOP_K
    flat = x.reshape(-1, D)  # [T, D]
    # router: F.linear(x, W_gate.T) == x @ W_gate
    router_logits = flat @ W_router  # [T, E]
    routing_weights = jax.nn.softmax(router_logits.astype(jnp.float32), axis=-1)
    routing_weights, expert_indices = jax.lax.top_k(routing_weights, K)  # [T, K]
    routing_weights = routing_weights / jnp.sum(routing_weights, axis=-1, keepdims=True)
    routing_weights = routing_weights.astype(x.dtype)
    results = jnp.zeros((flat.shape[0], D), dtype=x.dtype)
    for e in range(E):
        # combine weight for tokens routed to expert e (0 for unrouted tokens)
        coef = jnp.sum(routing_weights * (expert_indices == e).astype(x.dtype), axis=-1)  # [T]
        hidden = jax.nn.silu(flat @ W_gate[e]) * (flat @ W_in[e])  # gated MLP
        expert_out = hidden @ W_out[e]  # [T, D]
        results = results + expert_out * coef[:, None]
    return results.reshape(x.shape)

if __name__ == "__main__":
    import jax
    _d = setup_inputs()
    print(jax.jit(kernel)(*tuple(_d.values())))

</pallas_src>

<mosaic_0001>
#map = affine_map<(d0, d1) -> (0)>
#map1 = affine_map<(d0, d1) -> (0, 0)>
module attributes {stable_mosaic.version = 14 : i64} {
  func.func @_combine_body(%arg0: i32, %arg1: i32, %arg2: memref<4096xi32, #tpu.memory_space<hbm>>, %arg3: memref<5120x1024xf32, #tpu.memory_space<hbm>>, %arg4: memref<2048x1024xf32, #tpu.memory_space<hbm>>, %arg5: memref<32xi32, #tpu.memory_space<vmem>>, %arg6: memref<32xi32, #tpu.memory_space<vmem>>, %arg7: memref<32x1024xf32, #tpu.memory_space<vmem>>, %arg8: memref<32x1024xf32, #tpu.memory_space<vmem>>, %arg9: memref<!tpu.dma_semaphore, #tpu.memory_space<semaphore_mem>>, %arg10: memref<!tpu.dma_semaphore, #tpu.memory_space<semaphore_mem>>) attributes {dimension_semantics = [#tpu.dimension_semantics<core_parallel>, #tpu.dimension_semantics<subcore_parallel>], iteration_bounds = array<i64: 2, 16>, scalar_prefetch = 0 : i64, scratch_operands = 6 : i64, tpu.core_type = #tpu.core_type<sc_vector_subcore>, window_params = [{transform_indices = #map}, {transform_indices = #map1}, {transform_indices = #map1}]} {
    %mul3A = arith.constant 2 : i32
    %mul3A_0 = arith.muli %arg1, %mul3A : i32
    %add3A = arith.addi %mul3A_0, %arg0 : i32
    %mul3A_1 = arith.constant 64 : i32
    %mul3A_2 = arith.muli %add3A, %mul3A_1 : i32
    %scan3A = arith.constant 0 : i32
    %scan3A_3 = arith.constant 0 : i32
    %scan3A_4 = arith.constant 2 : i32
    %scan3A_5 = arith.addi %scan3A_3, %scan3A_4 : i32
    %scan3A_6 = arith.constant 1 : i32
    %scan3A_7 = scf.for %scan3A_9 = %scan3A_3 to %scan3A_5 step %scan3A_6 iter_args(%scan3A_10 = %scan3A) -> (i32)  : i32 {
      %mul3A_11 = arith.constant 32 : i32
      %mul3A_12 = arith.muli %scan3A_9, %mul3A_11 : i32
      %add3A_13 = arith.addi %mul3A_2, %mul3A_12 : i32
      "tpu.region"() ({
        %run_scoped3A = tpu.sem_alloc : memref<!tpu.dma_semaphore, #tpu.memory_space<semaphore_mem>>
        %dma_start3A_34 = tpu.memref_slice %arg2[%add3A_13] : memref<4096xi32, #tpu.memory_space<hbm>> -> memref<32xi32, #tpu.memory_space<hbm>>
        %dma_start3A_35 = tpu.memref_slice %arg2[%add3A_13] : memref<4096xi32, #tpu.memory_space<hbm>> -> memref<32xi32, #tpu.memory_space<hbm>>
        tpu.enqueue_dma source(%dma_start3A_35 : memref<32xi32, #tpu.memory_space<hbm>>) target(%arg5 : memref<32xi32, #tpu.memory_space<vmem>>) target_semaphore(%run_scoped3A : memref<!tpu.dma_semaphore, #tpu.memory_space<semaphore_mem>>)
        %dma_wait3A_36 = tpu.memref_slice %arg2[%add3A_13] : memref<4096xi32, #tpu.memory_space<hbm>> -> memref<32xi32, #tpu.memory_space<hbm>>
        %dma_wait3A_37 = tpu.memref_slice %arg2[%add3A_13] : memref<4096xi32, #tpu.memory_space<hbm>> -> memref<32xi32, #tpu.memory_space<hbm>>
        tpu.wait_dma2 semaphore(%run_scoped3A : memref<!tpu.dma_semaphore, #tpu.memory_space<semaphore_mem>>) src(%dma_wait3A_37 : memref<32xi32, #tpu.memory_space<hbm>>) dst(%arg5 : memref<32xi32, #tpu.memory_space<vmem>>)
        tpu.yield
      }) : () -> ()
      %add3A_14 = arith.constant 2048 : i32
      %add3A_15 = arith.addi %add3A_14, %add3A_13 : i32
      "tpu.region"() ({
        %run_scoped3A = tpu.sem_alloc : memref<!tpu.dma_semaphore, #tpu.memory_space<semaphore_mem>>
        %dma_start3A_34 = tpu.memref_slice %arg2[%add3A_15] : memref<4096xi32, #tpu.memory_space<hbm>> -> memref<32xi32, #tpu.memory_space<hbm>>
        %dma_start3A_35 = tpu.memref_slice %arg2[%add3A_15] : memref<4096xi32, #tpu.memory_space<hbm>> -> memref<32xi32, #tpu.memory_space<hbm>>
        tpu.enqueue_dma source(%dma_start3A_35 : memref<32xi32, #tpu.memory_space<hbm>>) target(%arg6 : memref<32xi32, #tpu.memory_space<vmem>>) target_semaphore(%run_scoped3A : memref<!tpu.dma_semaphore, #tpu.memory_space<semaphore_mem>>)
        %dma_wait3A_36 = tpu.memref_slice %arg2[%add3A_15] : memref<4096xi32, #tpu.memory_space<hbm>> -> memref<32xi32, #tpu.memory_space<hbm>>
        %dma_wait3A_37 = tpu.memref_slice %arg2[%add3A_15] : memref<4096xi32, #tpu.memory_space<hbm>> -> memref<32xi32, #tpu.memory_space<hbm>>
        tpu.wait_dma2 semaphore(%run_scoped3A : memref<!tpu.dma_semaphore, #tpu.memory_space<semaphore_mem>>) src(%dma_wait3A_37 : memref<32xi32, #tpu.memory_space<hbm>>) dst(%arg6 : memref<32xi32, #tpu.memory_space<vmem>>)
        tpu.yield
      }) : () -> ()
      %dma_start3A = arith.constant 0 : i32
      %dma_start3A_16 = arith.constant 0 : i32
      %dma_start3A_17 = tpu.memref_slice %arg3[%dma_start3A, %dma_start3A_16] : memref<5120x1024xf32, #tpu.memory_space<hbm>> -> memref<5120x1024xf32, #tpu.memory_space<hbm>>
      tpu.enqueue_indirect_dma source(%dma_start3A_17 : memref<5120x1024xf32, #tpu.memory_space<hbm>>) target(%arg7 : memref<32x1024xf32, #tpu.memory_space<vmem>>) offsets(%arg5 : memref<32xi32, #tpu.memory_space<vmem>>) semaphore(%arg9 : memref<!tpu.dma_semaphore, #tpu.memory_space<semaphore_mem>>)
      %dma_start3A_18 = arith.constant 0 : i32
      %dma_start3A_19 = arith.constant 0 : i32
      %dma_start3A_20 = tpu.memref_slice %arg3[%dma_start3A_18, %dma_start3A_19] : memref<5120x1024xf32, #tpu.memory_space<hbm>> -> memref<5120x1024xf32, #tpu.memory_space<hbm>>
      tpu.enqueue_indirect_dma source(%dma_start3A_20 : memref<5120x1024xf32, #tpu.memory_space<hbm>>) target(%arg8 : memref<32x1024xf32, #tpu.memory_space<vmem>>) offsets(%arg6 : memref<32xi32, #tpu.memory_space<vmem>>) semaphore(%arg10 : memref<!tpu.dma_semaphore, #tpu.memory_space<semaphore_mem>>)
      %dma_wait3A = arith.constant 0 : i32
      %dma_wait3A_21 = arith.constant 0 : i32
      %dma_wait3A_22 = tpu.memref_slice %arg3[%dma_wait3A, %dma_wait3A_21] : memref<5120x1024xf32, #tpu.memory_space<hbm>> -> memref<5120x1024xf32, #tpu.memory_space<hbm>>
      tpu.wait_indirect_dma semaphore(%arg9 : memref<!tpu.dma_semaphore, #tpu.memory_space<semaphore_mem>>) src(%dma_wait3A_22 : memref<5120x1024xf32, #tpu.memory_space<hbm>>) dst(%arg7 : memref<32x1024xf32, #tpu.memory_space<vmem>>)
      %dma_wait3A_23 = arith.constant 0 : i32
      %dma_wait3A_24 = arith.constant 0 : i32
      %dma_wait3A_25 = tpu.memref_slice %arg3[%dma_wait3A_23, %dma_wait3A_24] : memref<5120x1024xf32, #tpu.memory_space<hbm>> -> memref<5120x1024xf32, #tpu.memory_space<hbm>>
      tpu.wait_indirect_dma semaphore(%arg10 : memref<!tpu.dma_semaphore, #tpu.memory_space<semaphore_mem>>) src(%dma_wait3A_25 : memref<5120x1024xf32, #tpu.memory_space<hbm>>) dst(%arg8 : memref<32x1024xf32, #tpu.memory_space<vmem>>)
      %scan3A_26 = arith.constant 0 : i32
      %scan3A_27 = arith.constant 0 : i32
      %scan3A_28 = arith.constant 32 : i32
      %scan3A_29 = arith.addi %scan3A_27, %scan3A_28 : i32
      %scan3A_30 = arith.constant 1 : i32
      %scan3A_31 = scf.for %scan3A_34 = %scan3A_27 to %scan3A_29 step %scan3A_30 iter_args(%scan3A_35 = %scan3A_26) -> (i32)  : i32 {
        %scan3A_36 = arith.constant 0 : i32
        %scan3A_37 = arith.constant 0 : i32
        %scan3A_38 = arith.constant 64 : i32
        %scan3A_39 = arith.addi %scan3A_37, %scan3A_38 : i32
        %scan3A_40 = arith.constant 4 : i32
        %scan3A_41 = scf.for %scan3A_44 = %scan3A_37 to %scan3A_39 step %scan3A_40 iter_args(%scan3A_45 = %scan3A_36) -> (i32)  : i32 {
          %mul3A_46 = arith.constant 16 : i32
          %mul3A_47 = arith.muli %scan3A_44, %mul3A_46 : i32
          %get3A = arith.index_cast %scan3A_34 : i32 to index
          %get3A_48 = arith.index_cast %mul3A_47 : i32 to index
          %get3A_49 = tpu.vector_load %arg7[%get3A, %get3A_48] {strides = array<i32>} : memref<32x1024xf32, #tpu.memory_space<vmem>>, vector<16xf32>,
          %get3A_50 = arith.index_cast %scan3A_34 : i32 to index
          %get3A_51 = arith.index_cast %mul3A_47 : i32 to index
          %get3A_52 = tpu.vector_load %arg8[%get3A_50, %get3A_51] {strides = array<i32>} : memref<32x1024xf32, #tpu.memory_space<vmem>>, vector<16xf32>,
          %add3A_53 = arith.addf %get3A_49, %get3A_52 : vector<16xf32>
          %swap3A = arith.index_cast %scan3A_34 : i32 to index
          %swap3A_54 = arith.index_cast %mul3A_47 : i32 to index
          %swap3A_55 = tpu.vector_load %arg7[%swap3A, %swap3A_54] {strides = array<i32>} : memref<32x1024xf32, #tpu.memory_space<vmem>>, vector<16xf32>,
          tpu.vector_store %arg7[%swap3A, %swap3A_54], %add3A_53 {strides = array<i32>} : memref<32x1024xf32, #tpu.memory_space<vmem>>, vector<16xf32>,
          %scan3A_56 = arith.constant 0 : i32
          %scan3A_57 = arith.constant 1 : i32
          %scan3A_58 = arith.addi %scan3A_44, %scan3A_57 : i32
          %mul3A_59 = arith.constant 16 : i32
          %mul3A_60 = arith.muli %scan3A_58, %mul3A_59 : i32
          %get3A_61 = arith.index_cast %scan3A_34 : i32 to index
          %get3A_62 = arith.index_cast %mul3A_60 : i32 to index
          %get3A_63 = tpu.vector_load %arg7[%get3A_61, %get3A_62] {strides = array<i32>} : memref<32x1024xf32, #tpu.memory_space<vmem>>, vector<16xf32>,
          %get3A_64 = arith.index_cast %scan3A_34 : i32 to index
          %get3A_65 = arith.index_cast %mul3A_60 : i32 to index
          %get3A_66 = tpu.vector_load %arg8[%get3A_64, %get3A_65] {strides = array<i32>} : memref<32x1024xf32, #tpu.memory_space<vmem>>, vector<16xf32>,
          %add3A_67 = arith.addf %get3A_63, %get3A_66 : vector<16xf32>
          %swap3A_68 = arith.index_cast %scan3A_34 : i32 to index
          %swap3A_69 = arith.index_cast %mul3A_60 : i32 to index
          %swap3A_70 = tpu.vector_load %arg7[%swap3A_68, %swap3A_69] {strides = array<i32>} : memref<32x1024xf32, #tpu.memory_space<vmem>>, vector<16xf32>,
          tpu.vector_store %arg7[%swap3A_68, %swap3A_69], %add3A_67 {strides = array<i32>} : memref<32x1024xf32, #tpu.memory_space<vmem>>, vector<16xf32>,
          %scan3A_71 = arith.constant 0 : i32
          %scan3A_72 = arith.constant 2 : i32
          %scan3A_73 = arith.addi %scan3A_44, %scan3A_72 : i32
          %mul3A_74 = arith.constant 16 : i32
          %mul3A_75 = arith.muli %scan3A_73, %mul3A_74 : i32
          %get3A_76 = arith.index_cast %scan3A_34 : i32 to index
          %get3A_77 = arith.index_cast %mul3A_75 : i32 to index
          %get3A_78 = tpu.vector_load %arg7[%get3A_76, %get3A_77] {strides = array<i32>} : memref<32x1024xf32, #tpu.memory_space<vmem>>, vector<16xf32>,
          %get3A_79 = arith.index_cast %scan3A_34 : i32 to index
          %get3A_80 = arith.index_cast %mul3A_75 : i32 to index
          %get3A_81 = tpu.vector_load %arg8[%get3A_79, %get3A_80] {strides = array<i32>} : memref<32x1024xf32, #tpu.memory_space<vmem>>, vector<16xf32>,
          %add3A_82 = arith.addf %get3A_78, %get3A_81 : vector<16xf32>
          %swap3A_83 = arith.index_cast %scan3A_34 : i32 to index
          %swap3A_84 = arith.index_cast %mul3A_75 : i32 to index
          %swap3A_85 = tpu.vector_load %arg7[%swap3A_83, %swap3A_84] {strides = array<i32>} : memref<32x1024xf32, #tpu.memory_space<vmem>>, vector<16xf32>,
          tpu.vector_store %arg7[%swap3A_83, %swap3A_84], %add3A_82 {strides = array<i32>} : memref<32x1024xf32, #tpu.memory_space<vmem>>, vector<16xf32>,
          %scan3A_86 = arith.constant 0 : i32
          %scan3A_87 = arith.constant 3 : i32
          %scan3A_88 = arith.addi %scan3A_44, %scan3A_87 : i32
          %mul3A_89 = arith.constant 16 : i32
          %mul3A_90 = arith.muli %scan3A_88, %mul3A_89 : i32
          %get3A_91 = arith.index_cast %scan3A_34 : i32 to index
          %get3A_92 = arith.index_cast %mul3A_90 : i32 to index
          %get3A_93 = tpu.vector_load %arg7[%get3A_91, %get3A_92] {strides = array<i32>} : memref<32x1024xf32, #tpu.memory_space<vmem>>, vector<16xf32>,
          %get3A_94 = arith.index_cast %scan3A_34 : i32 to index
          %get3A_95 = arith.index_cast %mul3A_90 : i32 to index
          %get3A_96 = tpu.vector_load %arg8[%get3A_94, %get3A_95] {strides = array<i32>} : memref<32x1024xf32, #tpu.memory_space<vmem>>, vector<16xf32>,
          %add3A_97 = arith.addf %get3A_93, %get3A_96 : vector<16xf32>
          %swap3A_98 = arith.index_cast %scan3A_34 : i32 to index
          %swap3A_99 = arith.index_cast %mul3A_90 : i32 to index
          %swap3A_100 = tpu.vector_load %arg7[%swap3A_98, %swap3A_99] {strides = array<i32>} : memref<32x1024xf32, #tpu.memory_space<vmem>>, vector<16xf32>,
          tpu.vector_store %arg7[%swap3A_98, %swap3A_99], %add3A_97 {strides = array<i32>} : memref<32x1024xf32, #tpu.memory_space<vmem>>, vector<16xf32>,
          %scan3A_101 = arith.constant 0 : i32
          scf.yield %scan3A_101 : i32
        }
        %scan3A_42 = arith.constant 64 : i32
        %scan3A_43 = arith.constant 0 : i32
        scf.yield %scan3A_43 : i32
      }
      %scan3A_32 = arith.constant 32 : i32
      "tpu.region"() ({
        %run_scoped3A = tpu.sem_alloc : memref<!tpu.dma_semaphore, #tpu.memory_space<semaphore_mem>>
        %dma_start3A_34 = arith.constant 0 : i32
        %dma_start3A_35 = tpu.memref_slice %arg4[%add3A_13, %dma_start3A_34] : memref<2048x1024xf32, #tpu.memory_space<hbm>> -> memref<32x1024xf32, #tpu.memory_space<hbm>>
        %dma_start3A_36 = arith.constant 0 : i32
        %dma_start3A_37 = tpu.memref_slice %arg4[%add3A_13, %dma_start3A_36] : memref<2048x1024xf32, #tpu.memory_space<hbm>> -> memref<32x1024xf32, #tpu.memory_space<hbm>>
        tpu.enqueue_dma source(%arg7 : memref<32x1024xf32, #tpu.memory_space<vmem>>) target(%dma_start3A_37 : memref<32x1024xf32, #tpu.memory_space<hbm>>) target_semaphore(%run_scoped3A : memref<!tpu.dma_semaphore, #tpu.memory_space<semaphore_mem>>)
        %dma_wait3A_38 = arith.constant 0 : i32
        %dma_wait3A_39 = tpu.memref_slice %arg4[%add3A_13, %dma_wait3A_38] : memref<2048x1024xf32, #tpu.memory_space<hbm>> -> memref<32x1024xf32, #tpu.memory_space<hbm>>
        %dma_wait3A_40 = arith.constant 0 : i32
        %dma_wait3A_41 = tpu.memref_slice %arg4[%add3A_13, %dma_wait3A_40] : memref<2048x1024xf32, #tpu.memory_space<hbm>> -> memref<32x1024xf32, #tpu.memory_space<hbm>>
        tpu.wait_dma2 semaphore(%run_scoped3A : memref<!tpu.dma_semaphore, #tpu.memory_space<semaphore_mem>>) src(%arg7 : memref<32x1024xf32, #tpu.memory_space<vmem>>) dst(%dma_wait3A_41 : memref<32x1024xf32, #tpu.memory_space<hbm>>)
        tpu.yield
      }) : () -> ()
      %scan3A_33 = arith.constant 0 : i32
      scf.yield %scan3A_33 : i32
    }
    %scan3A_8 = arith.constant 2 : i32
    return
  }
}

#map = affine_map<(d0, d1) -> (0)>
#map1 = affine_map<(d0, d1) -> (0, 0)>
module attributes {stable_mosaic.version = 14 : i64} {
  func.func @_dispatch_body(%arg0: i32, %arg1: i32, %arg2: memref<4096xi32, #tpu.memory_space<hbm>>, %arg3: memref<4096xf32, #tpu.memory_space<hbm>>, %arg4: memref<2048x1024xf32, #tpu.memory_space<hbm>>, %arg5: memref<48xi32, #tpu.memory_space<hbm>>, %arg6: memref<5120x1024xf32, #tpu.memory_space<hbm>>, %arg7: memref<5120xf32, #tpu.memory_space<hbm>>, %arg8: memref<4096xi32, #tpu.memory_space<vmem>>, %arg9: memref<4096xf32, #tpu.memory_space<vmem>>, %arg10: memref<5120xi32, #tpu.memory_space<vmem>>, %arg11: memref<5120xf32, #tpu.memory_space<vmem>>, %arg12: memref<48xi32, #tpu.memory_space<vmem>>, %arg13: memref<32x1024xf32, #tpu.memory_space<vmem>>, %arg14: memref<32x1024xf32, #tpu.memory_space<vmem>>, %arg15: memref<!tpu.dma_semaphore, #tpu.memory_space<semaphore_mem>>, %arg16: memref<!tpu.dma_semaphore, #tpu.memory_space<semaphore_mem>>) attributes {dimension_semantics = [#tpu.dimension_semantics<core_parallel>, #tpu.dimension_semantics<subcore_parallel>], iteration_bounds = array<i64: 2, 16>, scalar_prefetch = 0 : i64, scratch_operands = 9 : i64, tpu.core_type = #tpu.core_type<sc_vector_subcore>, window_params = [{transform_indices = #map}, {transform_indices = #map}, {transform_indices = #map1}, {transform_indices = #map}, {transform_indices = #map1}, {transform_indices = #map}]} {
    %mul3A = arith.constant 2 : i32
    %mul3A_0 = arith.muli %arg1, %mul3A : i32
    %add3A = arith.addi %mul3A_0, %arg0 : i32
    %mul3A_1 = arith.constant 160 : i32
    %mul3A_2 = arith.muli %add3A, %mul3A_1 : i32
    "tpu.region"() ({
      %run_scoped3A = tpu.sem_alloc : memref<!tpu.dma_semaphore, #tpu.memory_space<semaphore_mem>>
      tpu.enqueue_dma source(%arg2 : memref<4096xi32, #tpu.memory_space<hbm>>) target(%arg8 : memref<4096xi32, #tpu.memory_space<vmem>>) target_semaphore(%run_scoped3A : memref<!tpu.dma_semaphore, #tpu.memory_space<semaphore_mem>>)
      tpu.wait_dma2 semaphore(%run_scoped3A : memref<!tpu.dma_semaphore, #tpu.memory_space<semaphore_mem>>) src(%arg2 : memref<4096xi32, #tpu.memory_space<hbm>>) dst(%arg8 : memref<4096xi32, #tpu.memory_space<vmem>>)
      tpu.yield
    }) : () -> ()
    "tpu.region"() ({
      %run_scoped3A = tpu.sem_alloc : memref<!tpu.dma_semaphore, #tpu.memory_space<semaphore_mem>>
      tpu.enqueue_dma source(%arg3 : memref<4096xf32, #tpu.memory_space<hbm>>) target(%arg9 : memref<4096xf32, #tpu.memory_space<vmem>>) target_semaphore(%run_scoped3A : memref<!tpu.dma_semaphore, #tpu.memory_space<semaphore_mem>>)
      tpu.wait_dma2 semaphore(%run_scoped3A : memref<!tpu.dma_semaphore, #tpu.memory_space<semaphore_mem>>) src(%arg3 : memref<4096xf32, #tpu.memory_space<hbm>>) dst(%arg9 : memref<4096xf32, #tpu.memory_space<vmem>>)
      tpu.yield
    }) : () -> ()
    "tpu.region"() ({
      %run_scoped3A = tpu.sem_alloc : memref<!tpu.dma_semaphore, #tpu.memory_space<semaphore_mem>>
      tpu.enqueue_dma source(%arg5 : memref<48xi32, #tpu.memory_space<hbm>>) target(%arg12 : memref<48xi32, #tpu.memory_space<vmem>>) target_semaphore(%run_scoped3A : memref<!tpu.dma_semaphore, #tpu.memory_space<semaphore_mem>>)
      tpu.wait_dma2 semaphore(%run_scoped3A : memref<!tpu.dma_semaphore, #tpu.memory_space<semaphore_mem>>) src(%arg5 : memref<48xi32, #tpu.memory_space<hbm>>) dst(%arg12 : memref<48xi32, #tpu.memory_space<vmem>>)
      tpu.yield
    }) : () -> ()
    %get3A = arith.constant 32 : index
    %get3A_3 = tpu.vector_load %arg12[%get3A] {strides = array<i32>} : memref<48xi32, #tpu.memory_space<vmem>>, vector<16xi32>,
    %slice3A = vector.extract_strided_slice %get3A_3 {offsets = [8], sizes = [1], strides = [1]} : vector<16xi32> to vector<1xi32>
    %squeeze3A = vector.extract %slice3A[0] : i32 from vector<1xi32>
    %mul3A_4 = arith.constant 128 : i32
    %mul3A_5 = arith.muli %squeeze3A, %mul3A_4 : i32
    %broadcast_in_dim3A = arith.constant 0 : i32
    %broadcast_in_dim3A_6 = vector.broadcast %broadcast_in_dim3A : i32 to vector<16xi32>
    %broadcast_in_dim3A_7 = arith.constant 0.000000e+00 : f32
    %broadcast_in_dim3A_8 = vector.broadcast %broadcast_in_dim3A_7 : f32 to vector<16xf32>
    %scan3A = arith.constant 0 : i32
    %scan3A_9 = arith.constant 0 : i32
    %scan3A_10 = arith.constant 8 : i32
    %scan3A_11 = arith.addi %scan3A_9, %scan3A_10 : i32
    %scan3A_12 = arith.constant 4 : i32
    %scan3A_13 = scf.for %scan3A_94 = %scan3A_9 to %scan3A_11 step %scan3A_12 iter_args(%scan3A_95 = %scan3A) -> (i32)  : i32 {
      %mul3A_96 = arith.constant 16 : i32
      %mul3A_97 = arith.muli %scan3A_94, %mul3A_96 : i32
      %add3A_98 = arith.addi %mul3A_2, %mul3A_97 : i32
      %swap3A_99 = arith.index_cast %add3A_98 : i32 to index
      %swap3A_100 = tpu.vector_load %arg10[%swap3A_99] {strides = array<i32>} : memref<5120xi32, #tpu.memory_space<vmem>>, vector<16xi32>,
      tpu.vector_store %arg10[%swap3A_99], %broadcast_in_dim3A_6 {strides = array<i32>} : memref<5120xi32, #tpu.memory_space<vmem>>, vector<16xi32>,
      %mul3A_101 = arith.constant 16 : i32
      %mul3A_102 = arith.muli %scan3A_94, %mul3A_101 : i32
      %add3A_103 = arith.addi %mul3A_2, %mul3A_102 : i32
      %swap3A_104 = arith.index_cast %add3A_103 : i32 to index
      %swap3A_105 = tpu.vector_load %arg11[%swap3A_104] {strides = array<i32>} : memref<5120xf32, #tpu.memory_space<vmem>>, vector<16xf32>,
      tpu.vector_store %arg11[%swap3A_104], %broadcast_in_dim3A_8 {strides = array<i32>} : memref<5120xf32, #tpu.memory_space<vmem>>, vector<16xf32>,
      %scan3A_106 = arith.constant 0 : i32
      %scan3A_107 = arith.constant 1 : i32
      %scan3A_108 = arith.addi %scan3A_94, %scan3A_107 : i32
      %mul3A_109 = arith.constant 16 : i32
      %mul3A_110 = arith.muli %scan3A_108, %mul3A_109 : i32
      %add3A_111 = arith.addi %mul3A_2, %mul3A_110 : i32
      %swap3A_112 = arith.index_cast %add3A_111 : i32 to index
      %swap3A_113 = tpu.vector_load %arg10[%swap3A_112] {strides = array<i32>} : memref<5120xi32, #tpu.memory_space<vmem>>, vector<16xi32>,
      tpu.vector_store %arg10[%swap3A_112], %broadcast_in_dim3A_6 {strides = array<i32>} : memref<5120xi32, #tpu.memory_space<vmem>>, vector<16xi32>,
      %mul3A_114 = arith.constant 16 : i32
      %mul3A_115 = arith.muli %scan3A_108, %mul3A_114 : i32
      %add3A_116 = arith.addi %mul3A_2, %mul3A_115 : i32
      %swap3A_117 = arith.index_cast %add3A_116 : i32 to index
      %swap3A_118 = tpu.vector_load %arg11[%swap3A_117] {strides = array<i32>} : memref<5120xf32, #tpu.memory_space<vmem>>, vector<16xf32>,
      tpu.vector_store %arg11[%swap3A_117], %broadcast_in_dim3A_8 {strides = array<i32>} : memref<5120xf32, #tpu.memory_space<vmem>>, vector<16xf32>,
      %scan3A_119 = arith.constant 0 : i32
      %scan3A_120 = arith.constant 2 : i32
      %scan3A_121 = arith.addi %scan3A_94, %scan3A_120 : i32
      %mul3A_122 = arith.constant 16 : i32
      %mul3A_123 = arith.muli %scan3A_121, %mul3A_122 : i32
      %add3A_124 = arith.addi %mul3A_2, %mul3A_123 : i32
      %swap3A_125 = arith.index_cast %add3A_124 : i32 to index
      %swap3A_126 = tpu.vector_load %arg10[%swap3A_125] {strides = array<i32>} : memref<5120xi32, #tpu.memory_space<vmem>>, vector<16xi32>,
      tpu.vector_store %arg10[%swap3A_125], %broadcast_in_dim3A_6 {strides = array<i32>} : memref<5120xi32, #tpu.memory_space<vmem>>, vector<16xi32>,
      %mul3A_127 = arith.constant 16 : i32
      %mul3A_128 = arith.muli %scan3A_121, %mul3A_127 : i32
      %add3A_129 = arith.addi %mul3A_2, %mul3A_128 : i32
      %swap3A_130 = arith.index_cast %add3A_129 : i32 to index
      %swap3A_131 = tpu.vector_load %arg11[%swap3A_130] {strides = array<i32>} : memref<5120xf32, #tpu.memory_space<vmem>>, vector<16xf32>,
      tpu.vector_store %arg11[%swap3A_130], %broadcast_in_dim3A_8 {strides = array<i32>} : memref<5120xf32, #tpu.memory_space<vmem>>, vector<16xf32>,
      %scan3A_132 = arith.constant 0 : i32
      %scan3A_133 = arith.constant 3 : i32
      %scan3A_134 = arith.addi %scan3A_94, %scan3A_133 : i32
      %mul3A_135 = arith.constant 16 : i32
      %mul3A_136 = arith.muli %scan3A_134, %mul3A_135 : i32
      %add3A_137 = arith.addi %mul3A_2, %mul3A_136 : i32
      %swap3A_138 = arith.index_cast %add3A_137 : i32 to index
      %swap3A_139 = tpu.vector_load %arg10[%swap3A_138] {strides = array<i32>} : memref<5120xi32, #tpu.memory_space<vmem>>, vector<16xi32>,
      tpu.vector_store %arg10[%swap3A_138], %broadcast_in_dim3A_6 {strides = array<i32>} : memref<5120xi32, #tpu.memory_space<vmem>>, vector<16xi32>,
      %mul3A_140 = arith.constant 16 : i32
      %mul3A_141 = arith.muli %scan3A_134, %mul3A_140 : i32
      %add3A_142 = arith.addi %mul3A_2, %mul3A_141 : i32
      %swap3A_143 = arith.index_cast %add3A_142 : i32 to index
      %swap3A_144 = tpu.vector_load %arg11[%swap3A_143] {strides = array<i32>} : memref<5120xf32, #tpu.memory_space<vmem>>, vector<16xf32>,
      tpu.vector_store %arg11[%swap3A_143], %broadcast_in_dim3A_8 {strides = array<i32>} : memref<5120xf32, #tpu.memory_space<vmem>>, vector<16xf32>,
      %scan3A_145 = arith.constant 0 : i32
      scf.yield %scan3A_145 : i32
    }
    %scan3A_14 = arith.constant 8 : i32
    %scan3A_15 = arith.addi %scan3A_9, %scan3A_14 : i32
    %mul3A_16 = arith.constant 16 : i32
    %mul3A_17 = arith.muli %scan3A_15, %mul3A_16 : i32
    %add3A_18 = arith.addi %mul3A_2, %mul3A_17 : i32
    %swap3A = arith.index_cast %add3A_18 : i32 to index
    %swap3A_19 = tpu.vector_load %arg10[%swap3A] {strides = array<i32>} : memref<5120xi32, #tpu.memory_space<vmem>>, vector<16xi32>,
    tpu.vector_store %arg10[%swap3A], %broadcast_in_dim3A_6 {strides = array<i32>} : memref<5120xi32, #tpu.memory_space<vmem>>, vector<16xi32>,
    %mul3A_20 = arith.constant 16 : i32
    %mul3A_21 = arith.muli %scan3A_15, %mul3A_20 : i32
    %add3A_22 = arith.addi %mul3A_2, %mul3A_21 : i32
    %swap3A_23 = arith.index_cast %add3A_22 : i32 to index
    %swap3A_24 = tpu.vector_load %arg11[%swap3A_23] {strides = array<i32>} : memref<5120xf32, #tpu.memory_space<vmem>>, vector<16xf32>,
    tpu.vector_store %arg11[%swap3A_23], %broadcast_in_dim3A_8 {strides = array<i32>} : memref<5120xf32, #tpu.memory_space<vmem>>, vector<16xf32>,
    %scan3A_25 = arith.constant 0 : i32
    %scan3A_26 = arith.constant 9 : i32
    %scan3A_27 = arith.addi %scan3A_9, %scan3A_26 : i32
    %mul3A_28 = arith.constant 16 : i32
    %mul3A_29 = arith.muli %scan3A_27, %mul3A_28 : i32
    %add3A_30 = arith.addi %mul3A_2, %mul3A_29 : i32
    %swap3A_31 = arith.index_cast %add3A_30 : i32 to index
    %swap3A_32 = tpu.vector_load %arg10[%swap3A_31] {strides = array<i32>} : memref<5120xi32, #tpu.memory_space<vmem>>, vector<16xi32>,
    tpu.vector_store %arg10[%swap3A_31], %broadcast_in_dim3A_6 {strides = array<i32>} : memref<5120xi32, #tpu.memory_space<vmem>>, vector<16xi32>,
    %mul3A_33 = arith.constant 16 : i32
    %mul3A_34 = arith.muli %scan3A_27, %mul3A_33 : i32
    %add3A_35 = arith.addi %mul3A_2, %mul3A_34 : i32
    %swap3A_36 = arith.index_cast %add3A_35 : i32 to index
    %swap3A_37 = tpu.vector_load %arg11[%swap3A_36] {strides = array<i32>} : memref<5120xf32, #tpu.memory_space<vmem>>, vector<16xf32>,
    tpu.vector_store %arg11[%swap3A_36], %broadcast_in_dim3A_8 {strides = array<i32>} : memref<5120xf32, #tpu.memory_space<vmem>>, vector<16xf32>,
    %scan3A_38 = arith.constant 0 : i32
    %scan3A_39 = arith.constant 10 : i32
    %iota3A = tpu.iota {dimensions = array<i32: 0>} : vector<16xi32>
    %scan3A_40 = arith.constant 0 : i32
    %scan3A_41 = arith.constant 0 : i32
    %scan3A_42 = arith.constant 256 : i32
    %scan3A_43 = arith.addi %scan3A_41, %scan3A_42 : i32
    %scan3A_44 = arith.constant 4 : i32
    %scan3A_45 = scf.for %scan3A_94 = %scan3A_41 to %scan3A_43 step %scan3A_44 iter_args(%scan3A_95 = %scan3A_40) -> (i32)  : i32 {
      %mul3A_96 = arith.constant 16 : i32
      %mul3A_97 = arith.muli %scan3A_94, %mul3A_96 : i32
      %get3A_98 = arith.index_cast %mul3A_97 : i32 to index
      %get3A_99 = tpu.vector_load %arg8[%get3A_98] {strides = array<i32>} : memref<4096xi32, #tpu.memory_space<vmem>>, vector<16xi32>,
      %mul3A_100 = arith.constant 16 : i32
      %mul3A_101 = arith.muli %scan3A_94, %mul3A_100 : i32
      %add3A_102 = vector.broadcast %mul3A_101 : i32 to vector<16xi32>
      %add3A_103 = arith.addi %iota3A, %add3A_102 : vector<16xi32>
      %and3A = arith.constant 2047 : i32
      %and3A_104 = vector.broadcast %and3A : i32 to vector<16xi32>
      %and3A_105 = arith.andi %add3A_103, %and3A_104 : vector<16xi32>
      tpu.vector_store_idx %arg10[%get3A_99], %and3A_105 : memref<5120xi32, #tpu.memory_space<vmem>>[vector<16xi32>], vector<16xi32>,
      %mul3A_106 = arith.constant 16 : i32
      %mul3A_107 = arith.muli %scan3A_94, %mul3A_106 : i32
      %get3A_108 = arith.index_cast %mul3A_107 : i32 to index
      %get3A_109 = tpu.vector_load %arg9[%get3A_108] {strides = array<i32>} : memref<4096xf32, #tpu.memory_space<vmem>>, vector<16xf32>,
      tpu.vector_store_idx %arg11[%get3A_99], %get3A_109 : memref<5120xf32, #tpu.memory_space<vmem>>[vector<16xi32>], vector<16xf32>,
      %scan3A_110 = arith.constant 0 : i32
      %scan3A_111 = arith.constant 1 : i32
      %scan3A_112 = arith.addi %scan3A_94, %scan3A_111 : i32
      %mul3A_113 = arith.constant 16 : i32
      %mul3A_114 = arith.muli %scan3A_112, %mul3A_113 : i32
      %get3A_115 = arith.index_cast %mul3A_114 : i32 to index
      %get3A_116 = tpu.vector_load %arg8[%get3A_115] {strides = array<i32>} : memref<4096xi32, #tpu.memory_space<vmem>>, vector<16xi32>,
      %mul3A_117 = arith.constant 16 : i32
      %mul3A_118 = arith.muli %scan3A_112, %mul3A_117 : i32
      %add3A_119 = vector.broadcast %mul3A_118 : i32 to vector<16xi32>
      %add3A_120 = arith.addi %iota3A, %add3A_119 : vector<16xi32>
      %and3A_121 = arith.constant 2047 : i32
      %and3A_122 = vector.broadcast %and3A_121 : i32 to vector<16xi32>
      %and3A_123 = arith.andi %add3A_120, %and3A_122 : vector<16xi32>
      tpu.vector_store_idx %arg10[%get3A_116], %and3A_123 : memref<5120xi32, #tpu.memory_space<vmem>>[vector<16xi32>], vector<16xi32>,
      %mul3A_124 = arith.constant 16 : i32
      %mul3A_125 = arith.muli %scan3A_112, %mul3A_124 : i32
      %get3A_126 = arith.index_cast %mul3A_125 : i32 to index
      %get3A_127 = tpu.vector_load %arg9[%get3A_126] {strides = array<i32>} : memref<4096xf32, #tpu.memory_space<vmem>>, vector<16xf32>,
      tpu.vector_store_idx %arg11[%get3A_116], %get3A_127 : memref<5120xf32, #tpu.memory_space<vmem>>[vector<16xi32>], vector<16xf32>,
      %scan3A_128 = arith.constant 0 : i32
      %scan3A_129 = arith.constant 2 : i32
      %scan3A_130 = arith.addi %scan3A_94, %scan3A_129 : i32
      %mul3A_131 = arith.constant 16 : i32
      %mul3A_132 = arith.muli %scan3A_130, %mul3A_131 : i32
      %get3A_133 = arith.index_cast %mul3A_132 : i32 to index
      %get3A_134 = tpu.vector_load %arg8[%get3A_133] {strides = array<i32>} : memref<4096xi32, #tpu.memory_space<vmem>>, vector<16xi32>,
      %mul3A_135 = arith.constant 16 : i32
      %mul3A_136 = arith.muli %scan3A_130, %mul3A_135 : i32
      %add3A_137 = vector.broadcast %mul3A_136 : i32 to vector<16xi32>
      %add3A_138 = arith.addi %iota3A, %add3A_137 : vector<16xi32>
      %and3A_139 = arith.constant 2047 : i32
      %and3A_140 = vector.broadcast %and3A_139 : i32 to vector<16xi32>
      %and3A_141 = arith.andi %add3A_138, %and3A_140 : vector<16xi32>
      tpu.vector_store_idx %arg10[%get3A_134], %and3A_141 : memref<5120xi32, #tpu.memory_space<vmem>>[vector<16xi32>], vector<16xi32>,
      %mul3A_142 = arith.constant 16 : i32
      %mul3A_143 = arith.muli %scan3A_130, %mul3A_142 : i32
      %get3A_144 = arith.index_cast %mul3A_143 : i32 to index
      %get3A_145 = tpu.vector_load %arg9[%get3A_144] {strides = array<i32>} : memref<4096xf32, #tpu.memory_space<vmem>>, vector<16xf32>,
      tpu.vector_store_idx %arg11[%get3A_134], %get3A_145 : memref<5120xf32, #tpu.memory_space<vmem>>[vector<16xi32>], vector<16xf32>,
      %scan3A_146 = arith.constant 0 : i32
      %scan3A_147 = arith.constant 3 : i32
      %scan3A_148 = arith.addi %scan3A_94, %scan3A_147 : i32
      %mul3A_149 = arith.constant 16 : i32
      %mul3A_150 = arith.muli %scan3A_148, %mul3A_149 : i32
      %get3A_151 = arith.index_cast %mul3A_150 : i32 to index
      %get3A_152 = tpu.vector_load %arg8[%get3A_151] {strides = array<i32>} : memref<4096xi32, #tpu.memory_space<vmem>>, vector<16xi32>,
      %mul3A_153 = arith.constant 16 : i32
      %mul3A_154 = arith.muli %scan3A_148, %mul3A_153 : i32
      %add3A_155 = vector.broadcast %mul3A_154 : i32 to vector<16xi32>
      %add3A_156 = arith.addi %iota3A, %add3A_155 : vector<16xi32>
      %and3A_157 = arith.constant 2047 : i32
      %and3A_158 = vector.broadcast %and3A_157 : i32 to vector<16xi32>
      %and3A_159 = arith.andi %add3A_156, %and3A_158 : vector<16xi32>
      tpu.vector_store_idx %arg10[%get3A_152], %and3A_159 : memref<5120xi32, #tpu.memory_space<vmem>>[vector<16xi32>], vector<16xi32>,
      %mul3A_160 = arith.constant 16 : i32
      %mul3A_161 = arith.muli %scan3A_148, %mul3A_160 : i32
      %get3A_162 = arith.index_cast %mul3A_161 : i32 to index
      %get3A_163 = tpu.vector_load %arg9[%get3A_162] {strides = array<i32>} : memref<4096xf32, #tpu.memory_space<vmem>>, vector<16xf32>,
      tpu.vector_store_idx %arg11[%get3A_152], %get3A_163 : memref<5120xf32, #tpu.memory_space<vmem>>[vector<16xi32>], vector<16xf32>,
      %scan3A_164 = arith.constant 0 : i32
      scf.yield %scan3A_164 : i32
    }
    %scan3A_46 = arith.constant 256 : i32
    "tpu.region"() ({
      %run_scoped3A = tpu.sem_alloc : memref<!tpu.dma_semaphore, #tpu.memory_space<semaphore_mem>>
      %dma_start3A = tpu.memref_slice %arg11[%mul3A_2] : memref<5120xf32, #tpu.memory_space<vmem>> -> memref<160xf32, #tpu.memory_space<vmem>>
      %dma_start3A_94 = tpu.memref_slice %arg7[%mul3A_2] : memref<5120xf32, #tpu.memory_space<hbm>> -> memref<160xf32, #tpu.memory_space<hbm>>
      %dma_start3A_95 = tpu.memref_slice %arg7[%mul3A_2] : memref<5120xf32, #tpu.memory_space<hbm>> -> memref<160xf32, #tpu.memory_space<hbm>>
      %dma_start3A_96 = tpu.memref_slice %arg11[%mul3A_2] : memref<5120xf32, #tpu.memory_space<vmem>> -> memref<160xf32, #tpu.memory_space<vmem>>
      tpu.enqueue_dma source(%dma_start3A_96 : memref<160xf32, #tpu.memory_space<vmem>>) target(%dma_start3A_95 : memref<160xf32, #tpu.memory_space<hbm>>) target_semaphore(%run_scoped3A : memref<!tpu.dma_semaphore, #tpu.memory_space<semaphore_mem>>)
      %dma_wait3A = tpu.memref_slice %arg11[%mul3A_2] : memref<5120xf32, #tpu.memory_space<vmem>> -> memref<160xf32, #tpu.memory_space<vmem>>
      %dma_wait3A_97 = tpu.memref_slice %arg7[%mul3A_2] : memref<5120xf32, #tpu.memory_space<hbm>> -> memref<160xf32, #tpu.memory_space<hbm>>
      %dma_wait3A_98 = tpu.memref_slice %arg7[%mul3A_2] : memref<5120xf32, #tpu.memory_space<hbm>> -> memref<160xf32, #tpu.memory_space<hbm>>
      %dma_wait3A_99 = tpu.memref_slice %arg11[%mul3A_2] : memref<5120xf32, #tpu.memory_space<vmem>> -> memref<160xf32, #tpu.memory_space<vmem>>
      tpu.wait_dma2 semaphore(%run_scoped3A : memref<!tpu.dma_semaphore, #tpu.memory_space<semaphore_mem>>) src(%dma_wait3A_99 : memref<160xf32, #tpu.memory_space<vmem>>) dst(%dma_wait3A_98 : memref<160xf32, #tpu.memory_space<hbm>>)
      tpu.yield
    }) : () -> ()
    %sub3A = arith.subi %mul3A_5, %mul3A_2 : i32
    %gt3A = arith.constant 0 : i32
    %gt3A_47 = arith.cmpi sgt, %sub3A, %gt3A : i32
    %convert_element_type3A = arith.extui %gt3A_47 : i1 to i32
    %cond3A = arith.constant 0 : i32
    %cond3A_48 = arith.cmpi ne, %convert_element_type3A, %cond3A : i32
    scf.if %cond3A_48 {
      %add3A_94 = arith.constant 0 : i32
      %add3A_95 = arith.addi %mul3A_2, %add3A_94 : i32
      %dma_start3A = tpu.memref_slice %arg10[%add3A_95] : memref<5120xi32, #tpu.memory_space<vmem>> -> memref<32xi32, #tpu.memory_space<vmem>>
      %dma_start3A_96 = arith.constant 0 : i32
      %dma_start3A_97 = arith.constant 0 : i32
      %dma_start3A_98 = tpu.memref_slice %arg4[%dma_start3A_96, %dma_start3A_97] : memref<2048x1024xf32, #tpu.memory_space<hbm>> -> memref<2048x1024xf32, #tpu.memory_space<hbm>>
      tpu.enqueue_indirect_dma source(%dma_start3A_98 : memref<2048x1024xf32, #tpu.memory_space<hbm>>) target(%arg13 : memref<32x1024xf32, #tpu.memory_space<vmem>>) offsets(%dma_start3A : memref<32xi32, #tpu.memory_space<vmem>>) semaphore(%arg15 : memref<!tpu.dma_semaphore, #tpu.memory_space<semaphore_mem>>)
    } else {
    }
    %gt3A_49 = arith.constant 32 : i32
    %gt3A_50 = arith.cmpi sgt, %sub3A, %gt3A_49 : i32
    %convert_element_type3A_51 = arith.extui %gt3A_50 : i1 to i32
    %cond3A_52 = arith.constant 0 : i32
    %cond3A_53 = arith.cmpi ne, %convert_element_type3A_51, %cond3A_52 : i32
    scf.if %cond3A_53 {
      %add3A_94 = arith.constant 32 : i32
      %add3A_95 = arith.addi %mul3A_2, %add3A_94 : i32
      %dma_start3A = tpu.memref_slice %arg10[%add3A_95] : memref<5120xi32, #tpu.memory_space<vmem>> -> memref<32xi32, #tpu.memory_space<vmem>>
      %dma_start3A_96 = arith.constant 0 : i32
      %dma_start3A_97 = arith.constant 0 : i32
      %dma_start3A_98 = tpu.memref_slice %arg4[%dma_start3A_96, %dma_start3A_97] : memref<2048x1024xf32, #tpu.memory_space<hbm>> -> memref<2048x1024xf32, #tpu.memory_space<hbm>>
      tpu.enqueue_indirect_dma source(%dma_start3A_98 : memref<2048x1024xf32, #tpu.memory_space<hbm>>) target(%arg14 : memref<32x1024xf32, #tpu.memory_space<vmem>>) offsets(%dma_start3A : memref<32xi32, #tpu.memory_space<vmem>>) semaphore(%arg16 : memref<!tpu.dma_semaphore, #tpu.memory_space<semaphore_mem>>)
    } else {
    }
    %gt3A_54 = arith.constant 0 : i32
    %gt3A_55 = arith.cmpi sgt, %sub3A, %gt3A_54 : i32
    %convert_element_type3A_56 = arith.extui %gt3A_55 : i1 to i32
    %cond3A_57 = arith.constant 0 : i32
    %cond3A_58 = arith.cmpi ne, %convert_element_type3A_56, %cond3A_57 : i32
    scf.if %cond3A_58 {
      %add3A_94 = arith.constant 0 : i32
      %add3A_95 = arith.addi %mul3A_2, %add3A_94 : i32
      %dma_wait3A = tpu.memref_slice %arg10[%add3A_95] : memref<5120xi32, #tpu.memory_space<vmem>> -> memref<32xi32, #tpu.memory_space<vmem>>
      %dma_wait3A_96 = arith.constant 0 : i32
      %dma_wait3A_97 = arith.constant 0 : i32
      %dma_wait3A_98 = tpu.memref_slice %arg4[%dma_wait3A_96, %dma_wait3A_97] : memref<2048x1024xf32, #tpu.memory_space<hbm>> -> memref<2048x1024xf32, #tpu.memory_space<hbm>>
      tpu.wait_indirect_dma semaphore(%arg15 : memref<!tpu.dma_semaphore, #tpu.memory_space<semaphore_mem>>) src(%dma_wait3A_98 : memref<2048x1024xf32, #tpu.memory_space<hbm>>) dst(%arg13 : memref<32x1024xf32, #tpu.memory_space<vmem>>)
      %add3A_99 = arith.constant 0 : i32
      %add3A_100 = arith.addi %mul3A_2, %add3A_99 : i32
      "tpu.region"() ({
        %run_scoped3A = tpu.sem_alloc : memref<!tpu.dma_semaphore, #tpu.memory_space<semaphore_mem>>
        %dma_start3A = arith.constant 0 : i32
        %dma_start3A_101 = tpu.memref_slice %arg6[%add3A_100, %dma_start3A] : memref<5120x1024xf32, #tpu.memory_space<hbm>> -> memref<32x1024xf32, #tpu.memory_space<hbm>>
        %dma_start3A_102 = arith.constant 0 : i32
        %dma_start3A_103 = tpu.memref_slice %arg6[%add3A_100, %dma_start3A_102] : memref<5120x1024xf32, #tpu.memory_space<hbm>> -> memref<32x1024xf32, #tpu.memory_space<hbm>>
        tpu.enqueue_dma source(%arg13 : memref<32x1024xf32, #tpu.memory_space<vmem>>) target(%dma_start3A_103 : memref<32x1024xf32, #tpu.memory_space<hbm>>) target_semaphore(%run_scoped3A : memref<!tpu.dma_semaphore, #tpu.memory_space<semaphore_mem>>)
        %dma_wait3A_104 = arith.constant 0 : i32
        %dma_wait3A_105 = tpu.memref_slice %arg6[%add3A_100, %dma_wait3A_104] : memref<5120x1024xf32, #tpu.memory_space<hbm>> -> memref<32x1024xf32, #tpu.memory_space<hbm>>
        %dma_wait3A_106 = arith.constant 0 : i32
        %dma_wait3A_107 = tpu.memref_slice %arg6[%add3A_100, %dma_wait3A_106] : memref<5120x1024xf32, #tpu.memory_space<hbm>> -> memref<32x1024xf32, #tpu.memory_space<hbm>>
        tpu.wait_dma2 semaphore(%run_scoped3A : memref<!tpu.dma_semaphore, #tpu.memory_space<semaphore_mem>>) src(%arg13 : memref<32x1024xf32, #tpu.memory_space<vmem>>) dst(%dma_wait3A_107 : memref<32x1024xf32, #tpu.memory_space<hbm>>)
        tpu.yield
      }) : () -> ()
    } else {
    }
    %gt3A_59 = arith.constant 64 : i32
    %gt3A_60 = arith.cmpi sgt, %sub3A, %gt3A_59 : i32
    %convert_element_type3A_61 = arith.extui %gt3A_60 : i1 to i32
    %cond3A_62 = arith.constant 0 : i32
    %cond3A_63 = arith.cmpi ne, %convert_element_type3A_61, %cond3A_62 : i32
    scf.if %cond3A_63 {
      %add3A_94 = arith.constant 64 : i32
      %add3A_95 = arith.addi %mul3A_2, %add3A_94 : i32
      %dma_start3A = tpu.memref_slice %arg10[%add3A_95] : memref<5120xi32, #tpu.memory_space<vmem>> -> memref<32xi32, #tpu.memory_space<vmem>>
      %dma_start3A_96 = arith.constant 0 : i32
      %dma_start3A_97 = arith.constant 0 : i32
      %dma_start3A_98 = tpu.memref_slice %arg4[%dma_start3A_96, %dma_start3A_97] : memref<2048x1024xf32, #tpu.memory_space<hbm>> -> memref<2048x1024xf32, #tpu.memory_space<hbm>>
      tpu.enqueue_indirect_dma source(%dma_start3A_98 : memref<2048x1024xf32, #tpu.memory_space<hbm>>) target(%arg13 : memref<32x1024xf32, #tpu.memory_space<vmem>>) offsets(%dma_start3A : memref<32xi32, #tpu.memory_space<vmem>>) semaphore(%arg15 : memref<!tpu.dma_semaphore, #tpu.memory_space<semaphore_mem>>)
    } else {
    }
    %gt3A_64 = arith.constant 32 : i32
    %gt3A_65 = arith.cmpi sgt, %sub3A, %gt3A_64 : i32
    %convert_element_type3A_66 = arith.extui %gt3A_65 : i1 to i32
    %cond3A_67 = arith.constant 0 : i32
    %cond3A_68 = arith.cmpi ne, %convert_element_type3A_66, %cond3A_67 : i32
    scf.if %cond3A_68 {
      %add3A_94 = arith.constant 32 : i32
      %add3A_95 = arith.addi %mul3A_2, %add3A_94 : i32
      %dma_wait3A = tpu.memref_slice %arg10[%add3A_95] : memref<5120xi32, #tpu.memory_space<vmem>> -> memref<32xi32, #tpu.memory_space<vmem>>
      %dma_wait3A_96 = arith.constant 0 : i32
      %dma_wait3A_97 = arith.constant 0 : i32
      %dma_wait3A_98 = tpu.memref_slice %arg4[%dma_wait3A_96, %dma_wait3A_97] : memref<2048x1024xf32, #tpu.memory_space<hbm>> -> memref<2048x1024xf32, #tpu.memory_space<hbm>>
      tpu.wait_indirect_dma semaphore(%arg16 : memref<!tpu.dma_semaphore, #tpu.memory_space<semaphore_mem>>) src(%dma_wait3A_98 : memref<2048x1024xf32, #tpu.memory_space<hbm>>) dst(%arg14 : memref<32x1024xf32, #tpu.memory_space<vmem>>)
      %add3A_99 = arith.constant 32 : i32
      %add3A_100 = arith.addi %mul3A_2, %add3A_99 : i32
      "tpu.region"() ({
        %run_scoped3A = tpu.sem_alloc : memref<!tpu.dma_semaphore, #tpu.memory_space<semaphore_mem>>
        %dma_start3A = arith.constant 0 : i32
        %dma_start3A_101 = tpu.memref_slice %arg6[%add3A_100, %dma_start3A] : memref<5120x1024xf32, #tpu.memory_space<hbm>> -> memref<32x1024xf32, #tpu.memory_space<hbm>>
        %dma_start3A_102 = arith.constant 0 : i32
        %dma_start3A_103 = tpu.memref_slice %arg6[%add3A_100, %dma_start3A_102] : memref<5120x1024xf32, #tpu.memory_space<hbm>> -> memref<32x1024xf32, #tpu.memory_space<hbm>>
        tpu.enqueue_dma source(%arg14 : memref<32x1024xf32, #tpu.memory_space<vmem>>) target(%dma_start3A_103 : memref<32x1024xf32, #tpu.memory_space<hbm>>) target_semaphore(%run_scoped3A : memref<!tpu.dma_semaphore, #tpu.memory_space<semaphore_mem>>)
        %dma_wait3A_104 = arith.constant 0 : i32
        %dma_wait3A_105 = tpu.memref_slice %arg6[%add3A_100, %dma_wait3A_104] : memref<5120x1024xf32, #tpu.memory_space<hbm>> -> memref<32x1024xf32, #tpu.memory_space<hbm>>
        %dma_wait3A_106 = arith.constant 0 : i32
        %dma_wait3A_107 = tpu.memref_slice %arg6[%add3A_100, %dma_wait3A_106] : memref<5120x1024xf32, #tpu.memory_space<hbm>> -> memref<32x1024xf32, #tpu.memory_space<hbm>>
        tpu.wait_dma2 semaphore(%run_scoped3A : memref<!tpu.dma_semaphore, #tpu.memory_space<semaphore_mem>>) src(%arg14 : memref<32x1024xf32, #tpu.memory_space<vmem>>) dst(%dma_wait3A_107 : memref<32x1024xf32, #tpu.memory_space<hbm>>)
        tpu.yield
      }) : () -> ()
    } else {
    }
    %gt3A_69 = arith.constant 96 : i32
    %gt3A_70 = arith.cmpi sgt, %sub3A, %gt3A_69 : i32
    %convert_element_type3A_71 = arith.extui %gt3A_70 : i1 to i32
    %cond3A_72 = arith.constant 0 : i32
    %cond3A_73 = arith.cmpi ne, %convert_element_type3A_71, %cond3A_72 : i32
    scf.if %cond3A_73 {
      %add3A_94 = arith.constant 96 : i32
      %add3A_95 = arith.addi %mul3A_2, %add3A_94 : i32
      %dma_start3A = tpu.memref_slice %arg10[%add3A_95] : memref<5120xi32, #tpu.memory_space<vmem>> -> memref<32xi32, #tpu.memory_space<vmem>>
      %dma_start3A_96 = arith.constant 0 : i32
      %dma_start3A_97 = arith.constant 0 : i32
      %dma_start3A_98 = tpu.memref_slice %arg4[%dma_start3A_96, %dma_start3A_97] : memref<2048x1024xf32, #tpu.memory_space<hbm>> -> memref<2048x1024xf32, #tpu.memory_space<hbm>>
      tpu.enqueue_indirect_dma source(%dma_start3A_98 : memref<2048x1024xf32, #tpu.memory_space<hbm>>) target(%arg14 : memref<32x1024xf32, #tpu.memory_space<vmem>>) offsets(%dma_start3A : memref<32xi32, #tpu.memory_space<vmem>>) semaphore(%arg16 : memref<!tpu.dma_semaphore, #tpu.memory_space<semaphore_mem>>)
    } else {
    }
    %gt3A_74 = arith.constant 64 : i32
    %gt3A_75 = arith.cmpi sgt, %sub3A, %gt3A_74 : i32
    %convert_element_type3A_76 = arith.extui %gt3A_75 : i1 to i32
    %cond3A_77 = arith.constant 0 : i32
    %cond3A_78 = arith.cmpi ne, %convert_element_type3A_76, %cond3A_77 : i32
    scf.if %cond3A_78 {
      %add3A_94 = arith.constant 64 : i32
      %add3A_95 = arith.addi %mul3A_2, %add3A_94 : i32
      %dma_wait3A = tpu.memref_slice %arg10[%add3A_95] : memref<5120xi32, #tpu.memory_space<vmem>> -> memref<32xi32, #tpu.memory_space<vmem>>
      %dma_wait3A_96 = arith.constant 0 : i32
      %dma_wait3A_97 = arith.constant 0 : i32
      %dma_wait3A_98 = tpu.memref_slice %arg4[%dma_wait3A_96, %dma_wait3A_97] : memref<2048x1024xf32, #tpu.memory_space<hbm>> -> memref<2048x1024xf32, #tpu.memory_space<hbm>>
      tpu.wait_indirect_dma semaphore(%arg15 : memref<!tpu.dma_semaphore, #tpu.memory_space<semaphore_mem>>) src(%dma_wait3A_98 : memref<2048x1024xf32, #tpu.memory_space<hbm>>) dst(%arg13 : memref<32x1024xf32, #tpu.memory_space<vmem>>)
      %add3A_99 = arith.constant 64 : i32
      %add3A_100 = arith.addi %mul3A_2, %add3A_99 : i32
      "tpu.region"() ({
        %run_scoped3A = tpu.sem_alloc : memref<!tpu.dma_semaphore, #tpu.memory_space<semaphore_mem>>
        %dma_start3A = arith.constant 0 : i32
        %dma_start3A_101 = tpu.memref_slice %arg6[%add3A_100, %dma_start3A] : memref<5120x1024xf32, #tpu.memory_space<hbm>> -> memref<32x1024xf32, #tpu.memory_space<hbm>>
        %dma_start3A_102 = arith.constant 0 : i32
        %dma_start3A_103 = tpu.memref_slice %arg6[%add3A_100, %dma_start3A_102] : memref<5120x1024xf32, #tpu.memory_space<hbm>> -> memref<32x1024xf32, #tpu.memory_space<hbm>>
        tpu.enqueue_dma source(%arg13 : memref<32x1024xf32, #tpu.memory_space<vmem>>) target(%dma_start3A_103 : memref<32x1024xf32, #tpu.memory_space<hbm>>) target_semaphore(%run_scoped3A : memref<!tpu.dma_semaphore, #tpu.memory_space<semaphore_mem>>)
        %dma_wait3A_104 = arith.constant 0 : i32
        %dma_wait3A_105 = tpu.memref_slice %arg6[%add3A_100, %dma_wait3A_104] : memref<5120x1024xf32, #tpu.memory_space<hbm>> -> memref<32x1024xf32, #tpu.memory_space<hbm>>
        %dma_wait3A_106 = arith.constant 0 : i32
        %dma_wait3A_107 = tpu.memref_slice %arg6[%add3A_100, %dma_wait3A_106] : memref<5120x1024xf32, #tpu.memory_space<hbm>> -> memref<32x1024xf32, #tpu.memory_space<hbm>>
        tpu.wait_dma2 semaphore(%run_scoped3A : memref<!tpu.dma_semaphore, #tpu.memory_space<semaphore_mem>>) src(%arg13 : memref<32x1024xf32, #tpu.memory_space<vmem>>) dst(%dma_wait3A_107 : memref<32x1024xf32, #tpu.memory_space<hbm>>)
        tpu.yield
      }) : () -> ()
    } else {
    }
    %gt3A_79 = arith.constant 128 : i32
    %gt3A_80 = arith.cmpi sgt, %sub3A, %gt3A_79 : i32
    %convert_element_type3A_81 = arith.extui %gt3A_80 : i1 to i32
    %cond3A_82 = arith.constant 0 : i32
    %cond3A_83 = arith.cmpi ne, %convert_element_type3A_81, %cond3A_82 : i32
    scf.if %cond3A_83 {
      %add3A_94 = arith.constant 128 : i32
      %add3A_95 = arith.addi %mul3A_2, %add3A_94 : i32
      %dma_start3A = tpu.memref_slice %arg10[%add3A_95] : memref<5120xi32, #tpu.memory_space<vmem>> -> memref<32xi32, #tpu.memory_space<vmem>>
      %dma_start3A_96 = arith.constant 0 : i32
      %dma_start3A_97 = arith.constant 0 : i32
      %dma_start3A_98 = tpu.memref_slice %arg4[%dma_start3A_96, %dma_start3A_97] : memref<2048x1024xf32, #tpu.memory_space<hbm>> -> memref<2048x1024xf32, #tpu.memory_space<hbm>>
      tpu.enqueue_indirect_dma source(%dma_start3A_98 : memref<2048x1024xf32, #tpu.memory_space<hbm>>) target(%arg13 : memref<32x1024xf32, #tpu.memory_space<vmem>>) offsets(%dma_start3A : memref<32xi32, #tpu.memory_space<vmem>>) semaphore(%arg15 : memref<!tpu.dma_semaphore, #tpu.memory_space<semaphore_mem>>)
    } else {
    }
    %gt3A_84 = arith.constant 96 : i32
    %gt3A_85 = arith.cmpi sgt, %sub3A, %gt3A_84 : i32
    %convert_element_type3A_86 = arith.extui %gt3A_85 : i1 to i32
    %cond3A_87 = arith.constant 0 : i32
    %cond3A_88 = arith.cmpi ne, %convert_element_type3A_86, %cond3A_87 : i32
    scf.if %cond3A_88 {
      %add3A_94 = arith.constant 96 : i32
      %add3A_95 = arith.addi %mul3A_2, %add3A_94 : i32
      %dma_wait3A = tpu.memref_slice %arg10[%add3A_95] : memref<5120xi32, #tpu.memory_space<vmem>> -> memref<32xi32, #tpu.memory_space<vmem>>
      %dma_wait3A_96 = arith.constant 0 : i32
      %dma_wait3A_97 = arith.constant 0 : i32
      %dma_wait3A_98 = tpu.memref_slice %arg4[%dma_wait3A_96, %dma_wait3A_97] : memref<2048x1024xf32, #tpu.memory_space<hbm>> -> memref<2048x1024xf32, #tpu.memory_space<hbm>>
      tpu.wait_indirect_dma semaphore(%arg16 : memref<!tpu.dma_semaphore, #tpu.memory_space<semaphore_mem>>) src(%dma_wait3A_98 : memref<2048x1024xf32, #tpu.memory_space<hbm>>) dst(%arg14 : memref<32x1024xf32, #tpu.memory_space<vmem>>)
      %add3A_99 = arith.constant 96 : i32
      %add3A_100 = arith.addi %mul3A_2, %add3A_99 : i32
      "tpu.region"() ({
        %run_scoped3A = tpu.sem_alloc : memref<!tpu.dma_semaphore, #tpu.memory_space<semaphore_mem>>
        %dma_start3A = arith.constant 0 : i32
        %dma_start3A_101 = tpu.memref_slice %arg6[%add3A_100, %dma_start3A] : memref<5120x1024xf32, #tpu.memory_space<hbm>> -> memref<32x1024xf32, #tpu.memory_space<hbm>>
        %dma_start3A_102 = arith.constant 0 : i32
        %dma_start3A_103 = tpu.memref_slice %arg6[%add3A_100, %dma_start3A_102] : memref<5120x1024xf32, #tpu.memory_space<hbm>> -> memref<32x1024xf32, #tpu.memory_space<hbm>>
        tpu.enqueue_dma source(%arg14 : memref<32x1024xf32, #tpu.memory_space<vmem>>) target(%dma_start3A_103 : memref<32x1024xf32, #tpu.memory_space<hbm>>) target_semaphore(%run_scoped3A : memref<!tpu.dma_semaphore, #tpu.memory_space<semaphore_mem>>)
        %dma_wait3A_104 = arith.constant 0 : i32
        %dma_wait3A_105 = tpu.memref_slice %arg6[%add3A_100, %dma_wait3A_104] : memref<5120x1024xf32, #tpu.memory_space<hbm>> -> memref<32x1024xf32, #tpu.memory_space<hbm>>
        %dma_wait3A_106 = arith.constant 0 : i32
        %dma_wait3A_107 = tpu.memref_slice %arg6[%add3A_100, %dma_wait3A_106] : memref<5120x1024xf32, #tpu.memory_space<hbm>> -> memref<32x1024xf32, #tpu.memory_space<hbm>>
        tpu.wait_dma2 semaphore(%run_scoped3A : memref<!tpu.dma_semaphore, #tpu.memory_space<semaphore_mem>>) src(%arg14 : memref<32x1024xf32, #tpu.memory_space<vmem>>) dst(%dma_wait3A_107 : memref<32x1024xf32, #tpu.memory_space<hbm>>)
        tpu.yield
      }) : () -> ()
    } else {
    }
    %gt3A_89 = arith.constant 128 : i32
    %gt3A_90 = arith.cmpi sgt, %sub3A, %gt3A_89 : i32
    %convert_element_type3A_91 = arith.extui %gt3A_90 : i1 to i32
    %cond3A_92 = arith.constant 0 : i32
    %cond3A_93 = arith.cmpi ne, %convert_element_type3A_91, %cond3A_92 : i32
    scf.if %cond3A_93 {
      %add3A_94 = arith.constant 128 : i32
      %add3A_95 = arith.addi %mul3A_2, %add3A_94 : i32
      %dma_wait3A = tpu.memref_slice %arg10[%add3A_95] : memref<5120xi32, #tpu.memory_space<vmem>> -> memref<32xi32, #tpu.memory_space<vmem>>
      %dma_wait3A_96 = arith.constant 0 : i32
      %dma_wait3A_97 = arith.constant 0 : i32
      %dma_wait3A_98 = tpu.memref_slice %arg4[%dma_wait3A_96, %dma_wait3A_97] : memref<2048x1024xf32, #tpu.memory_space<hbm>> -> memref<2048x1024xf32, #tpu.memory_space<hbm>>
      tpu.wait_indirect_dma semaphore(%arg15 : memref<!tpu.dma_semaphore, #tpu.memory_space<semaphore_mem>>) src(%dma_wait3A_98 : memref<2048x1024xf32, #tpu.memory_space<hbm>>) dst(%arg13 : memref<32x1024xf32, #tpu.memory_space<vmem>>)
      %add3A_99 = arith.constant 128 : i32
      %add3A_100 = arith.addi %mul3A_2, %add3A_99 : i32
      "tpu.region"() ({
        %run_scoped3A = tpu.sem_alloc : memref<!tpu.dma_semaphore, #tpu.memory_space<semaphore_mem>>
        %dma_start3A = arith.constant 0 : i32
        %dma_start3A_101 = tpu.memref_slice %arg6[%add3A_100, %dma_start3A] : memref<5120x1024xf32, #tpu.memory_space<hbm>> -> memref<32x1024xf32, #tpu.memory_space<hbm>>
        %dma_start3A_102 = arith.constant 0 : i32
        %dma_start3A_103 = tpu.memref_slice %arg6[%add3A_100, %dma_start3A_102] : memref<5120x1024xf32, #tpu.memory_space<hbm>> -> memref<32x1024xf32, #tpu.memory_space<hbm>>
        tpu.enqueue_dma source(%arg13 : memref<32x1024xf32, #tpu.memory_space<vmem>>) target(%dma_start3A_103 : memref<32x1024xf32, #tpu.memory_space<hbm>>) target_semaphore(%run_scoped3A : memref<!tpu.dma_semaphore, #tpu.memory_space<semaphore_mem>>)
        %dma_wait3A_104 = arith.constant 0 : i32
        %dma_wait3A_105 = tpu.memref_slice %arg6[%add3A_100, %dma_wait3A_104] : memref<5120x1024xf32, #tpu.memory_space<hbm>> -> memref<32x1024xf32, #tpu.memory_space<hbm>>
        %dma_wait3A_106 = arith.constant 0 : i32
        %dma_wait3A_107 = tpu.memref_slice %arg6[%add3A_100, %dma_wait3A_106] : memref<5120x1024xf32, #tpu.memory_space<hbm>> -> memref<32x1024xf32, #tpu.memory_space<hbm>>
        tpu.wait_dma2 semaphore(%run_scoped3A : memref<!tpu.dma_semaphore, #tpu.memory_space<semaphore_mem>>) src(%arg13 : memref<32x1024xf32, #tpu.memory_space<vmem>>) dst(%dma_wait3A_107 : memref<32x1024xf32, #tpu.memory_space<hbm>>)
        tpu.yield
      }) : () -> ()
    } else {
    }
    return
  }
}

module attributes {stable_mosaic.version = 14 : i64} {
  func.func @_plan_body(%arg0: memref<2048x8xf32, #tpu.memory_space<vmem>>, %arg1: memref<4096x1xi32, #tpu.memory_space<vmem>>, %arg2: memref<4096x1xf32, #tpu.memory_space<vmem>>, %arg3: memref<48x1xi32, #tpu.memory_space<vmem>>) attributes {dimension_semantics = [], scalar_prefetch = 0 : i64, scratch_operands = 0 : i64, tpu.core_type = #tpu.core_type<tc>} {
    %get3A = arith.constant 0 : index
    %get3A_0 = arith.constant 0 : index
    %get3A_1 = vector.load %arg0[%get3A, %get3A_0] : memref<2048x8xf32, #tpu.memory_space<vmem>>, vector<2048x8xf32>
    %iota3A = tpu.iota {dimensions = array<i32: 1>} : vector<2048x8xi32>
    %reduce_max3A = arith.constant dense<0xFF800000> : vector<2048xf32>
    %reduce_max3A_2 = vector.multi_reduction <maximumf>, %get3A_1, %reduce_max3A [1] : vector<2048x8xf32> to vector<2048xf32>
    %broadcast_in_dim3A = vector.shape_cast %reduce_max3A_2 : vector<2048xf32> to vector<2048x1xf32>
    %eq3A = vector.broadcast %broadcast_in_dim3A : vector<2048x1xf32> to vector<2048x8xf32>
    %eq3A_3 = arith.cmpf oeq, %get3A_1, %eq3A : vector<2048x8xf32>
    %jit3A = arith.constant 8 : i32
    %broadcast_in_dim3A_4 = vector.broadcast %jit3A : i32 to vector<2048x8xi32>
    %select_n3A = arith.select %eq3A_3, %iota3A, %broadcast_in_dim3A_4 : vector<2048x8xi1>, vector<2048x8xi32>
    %reduce_min3A = arith.constant dense<2147483647> : vector<2048xi32>
    %reduce_min3A_5 = vector.multi_reduction <minsi>, %select_n3A, %reduce_min3A [1] : vector<2048x8xi32> to vector<2048xi32>
    %broadcast_in_dim3A_6 = vector.shape_cast %reduce_min3A_5 : vector<2048xi32> to vector<2048x1xi32>
    %eq3A_7 = vector.broadcast %broadcast_in_dim3A_6 : vector<2048x1xi32> to vector<2048x8xi32>
    %eq3A_8 = arith.cmpi eq, %iota3A, %eq3A_7 : vector<2048x8xi32>
    %jit3A_9 = arith.constant -1.000000e+30 : f32
    %broadcast_in_dim3A_10 = vector.broadcast %jit3A_9 : f32 to vector<2048x8xf32>
    %select_n3A_11 = arith.select %eq3A_8, %broadcast_in_dim3A_10, %get3A_1 : vector<2048x8xi1>, vector<2048x8xf32>
    %reduce_max3A_12 = arith.constant dense<0xFF800000> : vector<2048xf32>
    %reduce_max3A_13 = vector.multi_reduction <maximumf>, %select_n3A_11, %reduce_max3A_12 [1] : vector<2048x8xf32> to vector<2048xf32>
    %broadcast_in_dim3A_14 = vector.shape_cast %reduce_max3A_13 : vector<2048xf32> to vector<2048x1xf32>
    %eq3A_15 = vector.broadcast %broadcast_in_dim3A_14 : vector<2048x1xf32> to vector<2048x8xf32>
    %eq3A_16 = arith.cmpf oeq, %select_n3A_11, %eq3A_15 : vector<2048x8xf32>
    %jit3A_17 = arith.constant 8 : i32
    %broadcast_in_dim3A_18 = vector.broadcast %jit3A_17 : i32 to vector<2048x8xi32>
    %select_n3A_19 = arith.select %eq3A_16, %iota3A, %broadcast_in_dim3A_18 : vector<2048x8xi1>, vector<2048x8xi32>
    %reduce_min3A_20 = arith.constant dense<2147483647> : vector<2048xi32>
    %reduce_min3A_21 = vector.multi_reduction <minsi>, %select_n3A_19, %reduce_min3A_20 [1] : vector<2048x8xi32> to vector<2048xi32>
    %broadcast_in_dim3A_22 = vector.shape_cast %reduce_min3A_21 : vector<2048xi32> to vector<2048x1xi32>
    %sub3A = arith.subf %broadcast_in_dim3A_14, %broadcast_in_dim3A : vector<2048x1xf32>
    %exp3A = math.exp %sub3A : vector<2048x1xf32>
    %add3A = arith.constant 1.000000e+00 : f32
    %add3A_23 = vector.broadcast %add3A : f32 to vector<2048x1xf32>
    %add3A_24 = arith.addf %add3A_23, %exp3A : vector<2048x1xf32>
    %div3A = arith.constant 1.000000e+00 : f32
    %div3A_25 = vector.broadcast %div3A : f32 to vector<2048x1xf32>
    %div3A_26 = arith.divf %div3A_25, %add3A_24 : vector<2048x1xf32>
    %sub3A_27 = arith.constant 1.000000e+00 : f32
    %sub3A_28 = vector.broadcast %sub3A_27 : f32 to vector<2048x1xf32>
    %sub3A_29 = arith.subf %sub3A_28, %div3A_26 : vector<2048x1xf32>
    %concatenate3A = tpu.concatenate %div3A_26, %sub3A_29 in 0 : vector<2048x1xf32>, vector<2048x1xf32> -> vector<4096x1xf32>
    %swap3A = arith.constant 0 : index
    %swap3A_30 = arith.constant 0 : index
    %swap3A_31 = vector.load %arg2[%swap3A, %swap3A_30] : memref<4096x1xf32, #tpu.memory_space<vmem>>, vector<4096x1xf32>
    tpu.vector_store %arg2[%swap3A, %swap3A_30], %concatenate3A {strides = array<i32>} : memref<4096x1xf32, #tpu.memory_space<vmem>>, vector<4096x1xf32>,
    %eq3A_32 = vector.broadcast %broadcast_in_dim3A_6 : vector<2048x1xi32> to vector<2048x8xi32>
    %eq3A_33 = arith.cmpi eq, %eq3A_32, %iota3A : vector<2048x8xi32>
    %convert_element_type3A = arith.extui %eq3A_33 : vector<2048x8xi1> to vector<2048x8xi32>
    %eq3A_34 = vector.broadcast %broadcast_in_dim3A_22 : vector<2048x1xi32> to vector<2048x8xi32>
    %eq3A_35 = arith.cmpi eq, %eq3A_34, %iota3A : vector<2048x8xi32>
    %convert_element_type3A_36 = arith.extui %eq3A_35 : vector<2048x8xi1> to vector<2048x8xi32>
    %broadcast_in_dim3A_37 = arith.constant 0 : i32
    %broadcast_in_dim3A_38 = vector.broadcast %broadcast_in_dim3A_37 : i32 to vector<1x8xi32>
    %slice3A = vector.extract_strided_slice %convert_element_type3A {offsets = [0, 0], sizes = [2047, 8], strides = [1, 1]} : vector<2048x8xi32> to vector<2047x8xi32>
    %concatenate3A_39 = tpu.concatenate %broadcast_in_dim3A_38, %slice3A in 0 : vector<1x8xi32>, vector<2047x8xi32> -> vector<2048x8xi32>
    %add3A_40 = arith.addi %convert_element_type3A, %concatenate3A_39 : vector<2048x8xi32>
    %broadcast_in_dim3A_41 = arith.constant 0 : i32
    %broadcast_in_dim3A_42 = vector.broadcast %broadcast_in_dim3A_41 : i32 to vector<2x8xi32>
    %slice3A_43 = vector.extract_strided_slice %add3A_40 {offsets = [0, 0], sizes = [2046, 8], strides = [1, 1]} : vector<2048x8xi32> to vector<2046x8xi32>
    %concatenate3A_44 = tpu.concatenate %broadcast_in_dim3A_42, %slice3A_43 in 0 : vector<2x8xi32>, vector<2046x8xi32> -> vector<2048x8xi32>
    %add3A_45 = arith.addi %add3A_40, %concatenate3A_44 : vector<2048x8xi32>
    %broadcast_in_dim3A_46 = arith.constant 0 : i32
    %broadcast_in_dim3A_47 = vector.broadcast %broadcast_in_dim3A_46 : i32 to vector<4x8xi32>
    %slice3A_48 = vector.extract_strided_slice %add3A_45 {offsets = [0, 0], sizes = [2044, 8], strides = [1, 1]} : vector<2048x8xi32> to vector<2044x8xi32>
    %concatenate3A_49 = tpu.concatenate %broadcast_in_dim3A_47, %slice3A_48 in 0 : vector<4x8xi32>, vector<2044x8xi32> -> vector<2048x8xi32>
    %add3A_50 = arith.addi %add3A_45, %concatenate3A_49 : vector<2048x8xi32>
    %broadcast_in_dim3A_51 = arith.constant 0 : i32
    %broadcast_in_dim3A_52 = vector.broadcast %broadcast_in_dim3A_51 : i32 to vector<8x8xi32>
    %slice3A_53 = vector.extract_strided_slice %add3A_50 {offsets = [0, 0], sizes = [2040, 8], strides = [1, 1]} : vector<2048x8xi32> to vector<2040x8xi32>
    %concatenate3A_54 = tpu.concatenate %broadcast_in_dim3A_52, %slice3A_53 in 0 : vector<8x8xi32>, vector<2040x8xi32> -> vector<2048x8xi32>
    %add3A_55 = arith.addi %add3A_50, %concatenate3A_54 : vector<2048x8xi32>
    %broadcast_in_dim3A_56 = arith.constant 0 : i32
    %broadcast_in_dim3A_57 = vector.broadcast %broadcast_in_dim3A_56 : i32 to vector<16x8xi32>
    %slice3A_58 = vector.extract_strided_slice %add3A_55 {offsets = [0, 0], sizes = [2032, 8], strides = [1, 1]} : vector<2048x8xi32> to vector<2032x8xi32>
    %concatenate3A_59 = tpu.concatenate %broadcast_in_dim3A_57, %slice3A_58 in 0 : vector<16x8xi32>, vector<2032x8xi32> -> vector<2048x8xi32>
    %add3A_60 = arith.addi %add3A_55, %concatenate3A_59 : vector<2048x8xi32>
    %broadcast_in_dim3A_61 = arith.constant 0 : i32
    %broadcast_in_dim3A_62 = vector.broadcast %broadcast_in_dim3A_61 : i32 to vector<32x8xi32>
    %slice3A_63 = vector.extract_strided_slice %add3A_60 {offsets = [0, 0], sizes = [2016, 8], strides = [1, 1]} : vector<2048x8xi32> to vector<2016x8xi32>
    %concatenate3A_64 = tpu.concatenate %broadcast_in_dim3A_62, %slice3A_63 in 0 : vector<32x8xi32>, vector<2016x8xi32> -> vector<2048x8xi32>
    %add3A_65 = arith.addi %add3A_60, %concatenate3A_64 : vector<2048x8xi32>
    %broadcast_in_dim3A_66 = arith.constant 0 : i32
    %broadcast_in_dim3A_67 = vector.broadcast %broadcast_in_dim3A_66 : i32 to vector<64x8xi32>
    %slice3A_68 = vector.extract_strided_slice %add3A_65 {offsets = [0, 0], sizes = [1984, 8], strides = [1, 1]} : vector<2048x8xi32> to vector<1984x8xi32>
    %concatenate3A_69 = tpu.concatenate %broadcast_in_dim3A_67, %slice3A_68 in 0 : vector<64x8xi32>, vector<1984x8xi32> -> vector<2048x8xi32>
    %add3A_70 = arith.addi %add3A_65, %concatenate3A_69 : vector<2048x8xi32>
    %broadcast_in_dim3A_71 = arith.constant 0 : i32
    %broadcast_in_dim3A_72 = vector.broadcast %broadcast_in_dim3A_71 : i32 to vector<128x8xi32>
    %slice3A_73 = vector.extract_strided_slice %add3A_70 {offsets = [0, 0], sizes = [1920, 8], strides = [1, 1]} : vector<2048x8xi32> to vector<1920x8xi32>
    %concatenate3A_74 = tpu.concatenate %broadcast_in_dim3A_72, %slice3A_73 in 0 : vector<128x8xi32>, vector<1920x8xi32> -> vector<2048x8xi32>
    %add3A_75 = arith.addi %add3A_70, %concatenate3A_74 : vector<2048x8xi32>
    %broadcast_in_dim3A_76 = arith.constant 0 : i32
    %broadcast_in_dim3A_77 = vector.broadcast %broadcast_in_dim3A_76 : i32 to vector<256x8xi32>
    %slice3A_78 = vector.extract_strided_slice %add3A_75 {offsets = [0, 0], sizes = [1792, 8], strides = [1, 1]} : vector<2048x8xi32> to vector<1792x8xi32>
    %concatenate3A_79 = tpu.concatenate %broadcast_in_dim3A_77, %slice3A_78 in 0 : vector<256x8xi32>, vector<1792x8xi32> -> vector<2048x8xi32>
    %add3A_80 = arith.addi %add3A_75, %concatenate3A_79 : vector<2048x8xi32>
    %broadcast_in_dim3A_81 = arith.constant 0 : i32
    %broadcast_in_dim3A_82 = vector.broadcast %broadcast_in_dim3A_81 : i32 to vector<512x8xi32>
    %slice3A_83 = vector.extract_strided_slice %add3A_80 {offsets = [0, 0], sizes = [1536, 8], strides = [1, 1]} : vector<2048x8xi32> to vector<1536x8xi32>
    %concatenate3A_84 = tpu.concatenate %broadcast_in_dim3A_82, %slice3A_83 in 0 : vector<512x8xi32>, vector<1536x8xi32> -> vector<2048x8xi32>
    %add3A_85 = arith.addi %add3A_80, %concatenate3A_84 : vector<2048x8xi32>
    %broadcast_in_dim3A_86 = arith.constant 0 : i32
    %broadcast_in_dim3A_87 = vector.broadcast %broadcast_in_dim3A_86 : i32 to vector<1024x8xi32>
    %slice3A_88 = vector.extract_strided_slice %add3A_85 {offsets = [0, 0], sizes = [1024, 8], strides = [1, 1]} : vector<2048x8xi32> to vector<1024x8xi32>
    %concatenate3A_89 = tpu.concatenate %broadcast_in_dim3A_87, %slice3A_88 in 0 : vector<1024x8xi32>, vector<1024x8xi32> -> vector<2048x8xi32>
    %add3A_90 = arith.addi %add3A_85, %concatenate3A_89 : vector<2048x8xi32>
    %slice3A_91 = vector.extract_strided_slice %add3A_90 {offsets = [2047, 0], sizes = [1, 8], strides = [1, 1]} : vector<2048x8xi32> to vector<1x8xi32>
    %broadcast_in_dim3A_92 = arith.constant 0 : i32
    %broadcast_in_dim3A_93 = vector.broadcast %broadcast_in_dim3A_92 : i32 to vector<1x8xi32>
    %slice3A_94 = vector.extract_strided_slice %convert_element_type3A_36 {offsets = [0, 0], sizes = [2047, 8], strides = [1, 1]} : vector<2048x8xi32> to vector<2047x8xi32>
    %concatenate3A_95 = tpu.concatenate %broadcast_in_dim3A_93, %slice3A_94 in 0 : vector<1x8xi32>, vector<2047x8xi32> -> vector<2048x8xi32>
    %add3A_96 = arith.addi %convert_element_type3A_36, %concatenate3A_95 : vector<2048x8xi32>
    %broadcast_in_dim3A_97 = arith.constant 0 : i32
    %broadcast_in_dim3A_98 = vector.broadcast %broadcast_in_dim3A_97 : i32 to vector<2x8xi32>
    %slice3A_99 = vector.extract_strided_slice %add3A_96 {offsets = [0, 0], sizes = [2046, 8], strides = [1, 1]} : vector<2048x8xi32> to vector<2046x8xi32>
    %concatenate3A_100 = tpu.concatenate %broadcast_in_dim3A_98, %slice3A_99 in 0 : vector<2x8xi32>, vector<2046x8xi32> -> vector<2048x8xi32>
    %add3A_101 = arith.addi %add3A_96, %concatenate3A_100 : vector<2048x8xi32>
    %broadcast_in_dim3A_102 = arith.constant 0 : i32
    %broadcast_in_dim3A_103 = vector.broadcast %broadcast_in_dim3A_102 : i32 to vector<4x8xi32>
    %slice3A_104 = vector.extract_strided_slice %add3A_101 {offsets = [0, 0], sizes = [2044, 8], strides = [1, 1]} : vector<2048x8xi32> to vector<2044x8xi32>
    %concatenate3A_105 = tpu.concatenate %broadcast_in_dim3A_103, %slice3A_104 in 0 : vector<4x8xi32>, vector<2044x8xi32> -> vector<2048x8xi32>
    %add3A_106 = arith.addi %add3A_101, %concatenate3A_105 : vector<2048x8xi32>
    %broadcast_in_dim3A_107 = arith.constant 0 : i32
    %broadcast_in_dim3A_108 = vector.broadcast %broadcast_in_dim3A_107 : i32 to vector<8x8xi32>
    %slice3A_109 = vector.extract_strided_slice %add3A_106 {offsets = [0, 0], sizes = [2040, 8], strides = [1, 1]} : vector<2048x8xi32> to vector<2040x8xi32>
    %concatenate3A_110 = tpu.concatenate %broadcast_in_dim3A_108, %slice3A_109 in 0 : vector<8x8xi32>, vector<2040x8xi32> -> vector<2048x8xi32>
    %add3A_111 = arith.addi %add3A_106, %concatenate3A_110 : vector<2048x8xi32>
    %broadcast_in_dim3A_112 = arith.constant 0 : i32
    %broadcast_in_dim3A_113 = vector.broadcast %broadcast_in_dim3A_112 : i32 to vector<16x8xi32>
    %slice3A_114 = vector.extract_strided_slice %add3A_111 {offsets = [0, 0], sizes = [2032, 8], strides = [1, 1]} : vector<2048x8xi32> to vector<2032x8xi32>
    %concatenate3A_115 = tpu.concatenate %broadcast_in_dim3A_113, %slice3A_114 in 0 : vector<16x8xi32>, vector<2032x8xi32> -> vector<2048x8xi32>
    %add3A_116 = arith.addi %add3A_111, %concatenate3A_115 : vector<2048x8xi32>
    %broadcast_in_dim3A_117 = arith.constant 0 : i32
    %broadcast_in_dim3A_118 = vector.broadcast %broadcast_in_dim3A_117 : i32 to vector<32x8xi32>
    %slice3A_119 = vector.extract_strided_slice %add3A_116 {offsets = [0, 0], sizes = [2016, 8], strides = [1, 1]} : vector<2048x8xi32> to vector<2016x8xi32>
    %concatenate3A_120 = tpu.concatenate %broadcast_in_dim3A_118, %slice3A_119 in 0 : vector<32x8xi32>, vector<2016x8xi32> -> vector<2048x8xi32>
    %add3A_121 = arith.addi %add3A_116, %concatenate3A_120 : vector<2048x8xi32>
    %broadcast_in_dim3A_122 = arith.constant 0 : i32
    %broadcast_in_dim3A_123 = vector.broadcast %broadcast_in_dim3A_122 : i32 to vector<64x8xi32>
    %slice3A_124 = vector.extract_strided_slice %add3A_121 {offsets = [0, 0], sizes = [1984, 8], strides = [1, 1]} : vector<2048x8xi32> to vector<1984x8xi32>
    %concatenate3A_125 = tpu.concatenate %broadcast_in_dim3A_123, %slice3A_124 in 0 : vector<64x8xi32>, vector<1984x8xi32> -> vector<2048x8xi32>
    %add3A_126 = arith.addi %add3A_121, %concatenate3A_125 : vector<2048x8xi32>
    %broadcast_in_dim3A_127 = arith.constant 0 : i32
    %broadcast_in_dim3A_128 = vector.broadcast %broadcast_in_dim3A_127 : i32 to vector<128x8xi32>
    %slice3A_129 = vector.extract_strided_slice %add3A_126 {offsets = [0, 0], sizes = [1920, 8], strides = [1, 1]} : vector<2048x8xi32> to vector<1920x8xi32>
    %concatenate3A_130 = tpu.concatenate %broadcast_in_dim3A_128, %slice3A_129 in 0 : vector<128x8xi32>, vector<1920x8xi32> -> vector<2048x8xi32>
    %add3A_131 = arith.addi %add3A_126, %concatenate3A_130 : vector<2048x8xi32>
    %broadcast_in_dim3A_132 = arith.constant 0 : i32
    %broadcast_in_dim3A_133 = vector.broadcast %broadcast_in_dim3A_132 : i32 to vector<256x8xi32>
    %slice3A_134 = vector.extract_strided_slice %add3A_131 {offsets = [0, 0], sizes = [1792, 8], strides = [1, 1]} : vector<2048x8xi32> to vector<1792x8xi32>
    %concatenate3A_135 = tpu.concatenate %broadcast_in_dim3A_133, %slice3A_134 in 0 : vector<256x8xi32>, vector<1792x8xi32> -> vector<2048x8xi32>
    %add3A_136 = arith.addi %add3A_131, %concatenate3A_135 : vector<2048x8xi32>
    %broadcast_in_dim3A_137 = arith.constant 0 : i32
    %broadcast_in_dim3A_138 = vector.broadcast %broadcast_in_dim3A_137 : i32 to vector<512x8xi32>
    %slice3A_139 = vector.extract_strided_slice %add3A_136 {offsets = [0, 0], sizes = [1536, 8], strides = [1, 1]} : vector<2048x8xi32> to vector<1536x8xi32>
    %concatenate3A_140 = tpu.concatenate %broadcast_in_dim3A_138, %slice3A_139 in 0 : vector<512x8xi32>, vector<1536x8xi32> -> vector<2048x8xi32>
    %add3A_141 = arith.addi %add3A_136, %concatenate3A_140 : vector<2048x8xi32>
    %broadcast_in_dim3A_142 = arith.constant 0 : i32
    %broadcast_in_dim3A_143 = vector.broadcast %broadcast_in_dim3A_142 : i32 to vector<1024x8xi32>
    %slice3A_144 = vector.extract_strided_slice %add3A_141 {offsets = [0, 0], sizes = [1024, 8], strides = [1, 1]} : vector<2048x8xi32> to vector<1024x8xi32>
    %concatenate3A_145 = tpu.concatenate %broadcast_in_dim3A_143, %slice3A_144 in 0 : vector<1024x8xi32>, vector<1024x8xi32> -> vector<2048x8xi32>
    %add3A_146 = arith.addi %add3A_141, %concatenate3A_145 : vector<2048x8xi32>
    %add3A_147 = vector.broadcast %slice3A_91 : vector<1x8xi32> to vector<2048x8xi32>
    %add3A_148 = arith.addi %add3A_146, %add3A_147 : vector<2048x8xi32>
    %slice3A_149 = vector.extract_strided_slice %add3A_148 {offsets = [2047, 0], sizes = [1, 8], strides = [1, 1]} : vector<2048x8xi32> to vector<1x8xi32>
    %add3A_150 = arith.constant 127 : i32
    %add3A_151 = vector.broadcast %add3A_150 : i32 to vector<1x8xi32>
    %add3A_152 = arith.addi %slice3A_149, %add3A_151 : vector<1x8xi32>
    %jit3A_153 = arith.constant 128 : i32
    %div3A_154 = vector.broadcast %jit3A_153 : i32 to vector<1x8xi32>
    %div3A_155 = arith.divsi %add3A_152, %div3A_154 : vector<1x8xi32>
    %sign3A = arith.constant 0 : i32
    %sign3A_156 = vector.broadcast %sign3A : i32 to vector<1x8xi32>
    %sign3A_157 = arith.cmpi sgt, %add3A_152, %sign3A_156 : vector<1x8xi32>
    %sign3A_158 = arith.extui %sign3A_157 : vector<1x8xi1> to vector<1x8xi32>
    %sign3A_159 = arith.constant 0 : i32
    %sign3A_160 = vector.broadcast %sign3A_159 : i32 to vector<1x8xi32>
    %sign3A_161 = arith.cmpi slt, %add3A_152, %sign3A_160 : vector<1x8xi32>
    %sign3A_162 = arith.extui %sign3A_161 : vector<1x8xi1> to vector<1x8xi32>
    %sign3A_163 = arith.subi %sign3A_158, %sign3A_162 : vector<1x8xi32>
    %sign3A_164 = arith.constant 0 : i32
    %sign3A_165 = arith.cmpi sgt, %jit3A_153, %sign3A_164 : i32
    %sign3A_166 = arith.extui %sign3A_165 : i1 to i32
    %sign3A_167 = arith.constant 0 : i32
    %sign3A_168 = arith.cmpi slt, %jit3A_153, %sign3A_167 : i32
    %sign3A_169 = arith.extui %sign3A_168 : i1 to i32
    %sign3A_170 = arith.subi %sign3A_166, %sign3A_169 : i32
    %ne3A = vector.broadcast %sign3A_170 : i32 to vector<1x8xi32>
    %ne3A_171 = arith.cmpi ne, %sign3A_163, %ne3A : vector<1x8xi32>
    %rem3A = vector.broadcast %jit3A_153 : i32 to vector<1x8xi32>
    %rem3A_172 = arith.remsi %add3A_152, %rem3A : vector<1x8xi32>
    %ne3A_173 = arith.constant 0 : i32
    %ne3A_174 = vector.broadcast %ne3A_173 : i32 to vector<1x8xi32>
    %ne3A_175 = arith.cmpi ne, %rem3A_172, %ne3A_174 : vector<1x8xi32>
    %and3A = arith.andi %ne3A_171, %ne3A_175 : vector<1x8xi1>
    %sub3A_176 = arith.constant 1 : i32
    %sub3A_177 = vector.broadcast %sub3A_176 : i32 to vector<1x8xi32>
    %sub3A_178 = arith.subi %div3A_155, %sub3A_177 : vector<1x8xi32>
    %select_n3A_179 = arith.select %and3A, %sub3A_178, %div3A_155 : vector<1x8xi1>, vector<1x8xi32>
    %iota3A_180 = tpu.iota {dimensions = array<i32: 0>} : vector<8x8xi32>
    %iota3A_181 = tpu.iota {dimensions = array<i32: 1>} : vector<8x8xi32>
    %eq3A_182 = arith.cmpi eq, %iota3A_180, %iota3A_181 : vector<8x8xi32>
    %broadcast_in_dim3A_183 = vector.shape_cast %select_n3A_179 : vector<1x8xi32> to vector<1x8xi32>
    %broadcast_in_dim3A_184 = vector.broadcast %broadcast_in_dim3A_183 : vector<1x8xi32> to vector<8x8xi32>
    %jit3A_185 = arith.constant 0 : i32
    %broadcast_in_dim3A_186 = vector.broadcast %jit3A_185 : i32 to vector<8x8xi32>
    %select_n3A_187 = arith.select %eq3A_182, %broadcast_in_dim3A_184, %broadcast_in_dim3A_186 : vector<8x8xi1>, vector<8x8xi32>
    %reduce_sum3A = arith.constant dense<0> : vector<8xi32>
    %reduce_sum3A_188 = vector.multi_reduction <add>, %select_n3A_187, %reduce_sum3A [1] : vector<8x8xi32> to vector<8xi32>
    %broadcast_in_dim3A_189 = vector.shape_cast %reduce_sum3A_188 : vector<8xi32> to vector<8x1xi32>
    %lt3A = arith.cmpi slt, %iota3A_180, %iota3A_181 : vector<8x8xi32>
    %broadcast_in_dim3A_190 = vector.shape_cast %broadcast_in_dim3A_189 : vector<8x1xi32> to vector<8x1xi32>
    %broadcast_in_dim3A_191 = vector.broadcast %broadcast_in_dim3A_190 : vector<8x1xi32> to vector<8x8xi32>
    %jit3A_192 = arith.constant 0 : i32
    %broadcast_in_dim3A_193 = vector.broadcast %jit3A_192 : i32 to vector<8x8xi32>
    %select_n3A_194 = arith.select %lt3A, %broadcast_in_dim3A_191, %broadcast_in_dim3A_193 : vector<8x8xi1>, vector<8x8xi32>
    %reduce_sum3A_195 = arith.constant dense<0> : vector<8xi32>
    %reduce_sum3A_196 = vector.multi_reduction <add>, %select_n3A_194, %reduce_sum3A_195 [0] : vector<8x8xi32> to vector<8xi32>
    %broadcast_in_dim3A_197 = vector.shape_cast %reduce_sum3A_196 : vector<8xi32> to vector<1x8xi32>
    %mul3A = arith.constant 128 : i32
    %mul3A_198 = vector.broadcast %mul3A : i32 to vector<1x8xi32>
    %mul3A_199 = arith.muli %broadcast_in_dim3A_197, %mul3A_198 : vector<1x8xi32>
    %reduce_sum3A_200 = arith.constant dense<0> : vector<1xi32>
    %reduce_sum3A_201 = vector.multi_reduction <add>, %select_n3A_179, %reduce_sum3A_200 [1] : vector<1x8xi32> to vector<1xi32>
    %broadcast_in_dim3A_202 = vector.shape_cast %reduce_sum3A_201 : vector<1xi32> to vector<1x1xi32>
    %sub3A_203 = arith.constant 1 : i32
    %sub3A_204 = vector.broadcast %sub3A_203 : i32 to vector<2048x8xi32>
    %sub3A_205 = arith.subi %add3A_90, %sub3A_204 : vector<2048x8xi32>
    %mul3A_206 = arith.muli %convert_element_type3A, %sub3A_205 : vector<2048x8xi32>
    %reduce_sum3A_207 = arith.constant dense<0> : vector<2048xi32>
    %reduce_sum3A_208 = vector.multi_reduction <add>, %mul3A_206, %reduce_sum3A_207 [1] : vector<2048x8xi32> to vector<2048xi32>
    %broadcast_in_dim3A_209 = vector.shape_cast %reduce_sum3A_208 : vector<2048xi32> to vector<2048x1xi32>
    %broadcast_in_dim3A_210 = vector.shape_cast %mul3A_199 : vector<1x8xi32> to vector<1x8xi32>
    %broadcast_in_dim3A_211 = vector.broadcast %broadcast_in_dim3A_210 : vector<1x8xi32> to vector<2048x8xi32>
    %mul3A_212 = arith.muli %convert_element_type3A, %broadcast_in_dim3A_211 : vector<2048x8xi32>
    %reduce_sum3A_213 = arith.constant dense<0> : vector<2048xi32>
    %reduce_sum3A_214 = vector.multi_reduction <add>, %mul3A_212, %reduce_sum3A_213 [1] : vector<2048x8xi32> to vector<2048xi32>
    %broadcast_in_dim3A_215 = vector.shape_cast %reduce_sum3A_214 : vector<2048xi32> to vector<2048x1xi32>
    %sub3A_216 = arith.constant 1 : i32
    %sub3A_217 = vector.broadcast %sub3A_216 : i32 to vector<2048x8xi32>
    %sub3A_218 = arith.subi %add3A_148, %sub3A_217 : vector<2048x8xi32>
    %mul3A_219 = arith.muli %convert_element_type3A_36, %sub3A_218 : vector<2048x8xi32>
    %reduce_sum3A_220 = arith.constant dense<0> : vector<2048xi32>
    %reduce_sum3A_221 = vector.multi_reduction <add>, %mul3A_219, %reduce_sum3A_220 [1] : vector<2048x8xi32> to vector<2048xi32>
    %broadcast_in_dim3A_222 = vector.shape_cast %reduce_sum3A_221 : vector<2048xi32> to vector<2048x1xi32>
    %broadcast_in_dim3A_223 = vector.shape_cast %mul3A_199 : vector<1x8xi32> to vector<1x8xi32>
    %broadcast_in_dim3A_224 = vector.broadcast %broadcast_in_dim3A_223 : vector<1x8xi32> to vector<2048x8xi32>
    %mul3A_225 = arith.muli %convert_element_type3A_36, %broadcast_in_dim3A_224 : vector<2048x8xi32>
    %reduce_sum3A_226 = arith.constant dense<0> : vector<2048xi32>
    %reduce_sum3A_227 = vector.multi_reduction <add>, %mul3A_225, %reduce_sum3A_226 [1] : vector<2048x8xi32> to vector<2048xi32>
    %broadcast_in_dim3A_228 = vector.shape_cast %reduce_sum3A_227 : vector<2048xi32> to vector<2048x1xi32>
    %add3A_229 = arith.addi %broadcast_in_dim3A_209, %broadcast_in_dim3A_215 : vector<2048x1xi32>
    %add3A_230 = arith.addi %broadcast_in_dim3A_222, %broadcast_in_dim3A_228 : vector<2048x1xi32>
    %concatenate3A_231 = tpu.concatenate %add3A_229, %add3A_230 in 0 : vector<2048x1xi32>, vector<2048x1xi32> -> vector<4096x1xi32>
    %swap3A_232 = arith.constant 0 : index
    %swap3A_233 = arith.constant 0 : index
    %swap3A_234 = vector.load %arg1[%swap3A_232, %swap3A_233] : memref<4096x1xi32, #tpu.memory_space<vmem>>, vector<4096x1xi32>
    tpu.vector_store %arg1[%swap3A_232, %swap3A_233], %concatenate3A_231 {strides = array<i32>} : memref<4096x1xi32, #tpu.memory_space<vmem>>, vector<4096x1xi32>,
    %iota3A_235 = tpu.iota {dimensions = array<i32: 0>} : vector<48x8xi32>
    %broadcast_in_dim3A_236 = vector.shape_cast %broadcast_in_dim3A_197 : vector<1x8xi32> to vector<1x8xi32>
    %broadcast_in_dim3A_237 = vector.broadcast %broadcast_in_dim3A_236 : vector<1x8xi32> to vector<48x8xi32>
    %ge3A = arith.cmpi sge, %iota3A_235, %broadcast_in_dim3A_237 : vector<48x8xi32>
    %convert_element_type3A_238 = arith.extui %ge3A : vector<48x8xi1> to vector<48x8xi32>
    %reduce_sum3A_239 = arith.constant dense<0> : vector<48xi32>
    %reduce_sum3A_240 = vector.multi_reduction <add>, %convert_element_type3A_238, %reduce_sum3A_239 [1] : vector<48x8xi32> to vector<48xi32>
    %broadcast_in_dim3A_241 = vector.shape_cast %reduce_sum3A_240 : vector<48xi32> to vector<48x1xi32>
    %sub3A_242 = arith.constant 1 : i32
    %sub3A_243 = vector.broadcast %sub3A_242 : i32 to vector<48x1xi32>
    %sub3A_244 = arith.subi %broadcast_in_dim3A_241, %sub3A_243 : vector<48x1xi32>
    %jit3A_245 = arith.constant 0 : i32
    %jit3A_246 = arith.constant 7 : i32
    %max3A = vector.broadcast %jit3A_245 : i32 to vector<48x1xi32>
    %max3A_247 = arith.maxsi %max3A, %sub3A_244 : vector<48x1xi32>
    %min3A = vector.broadcast %jit3A_246 : i32 to vector<48x1xi32>
    %min3A_248 = arith.minsi %min3A, %max3A_247 : vector<48x1xi32>
    %iota3A_249 = tpu.iota {dimensions = array<i32: 0>} : vector<48x1xi32>
    %eq3A_250 = arith.constant 40 : i32
    %eq3A_251 = vector.broadcast %eq3A_250 : i32 to vector<48x1xi32>
    %eq3A_252 = arith.cmpi eq, %iota3A_249, %eq3A_251 : vector<48x1xi32>
    %broadcast_in_dim3A_253 = vector.shape_cast %broadcast_in_dim3A_202 : vector<1x1xi32> to vector<1x1xi32>
    %broadcast_in_dim3A_254 = vector.broadcast %broadcast_in_dim3A_253 : vector<1x1xi32> to vector<48x1xi32>
    %lt3A_255 = arith.constant 40 : i32
    %lt3A_256 = vector.broadcast %lt3A_255 : i32 to vector<48x1xi32>
    %lt3A_257 = arith.cmpi slt, %iota3A_249, %lt3A_256 : vector<48x1xi32>
    %jit3A_258 = arith.constant 0 : i32
    %broadcast_in_dim3A_259 = vector.broadcast %jit3A_258 : i32 to vector<48x1xi32>
    %select_n3A_260 = arith.select %lt3A_257, %min3A_248, %broadcast_in_dim3A_259 : vector<48x1xi1>, vector<48x1xi32>
    %select_n3A_261 = arith.select %eq3A_252, %broadcast_in_dim3A_254, %select_n3A_260 : vector<48x1xi1>, vector<48x1xi32>
    %swap3A_262 = arith.constant 0 : index
    %swap3A_263 = arith.constant 0 : index
    %swap3A_264 = vector.load %arg3[%swap3A_262, %swap3A_263] : memref<48x1xi32, #tpu.memory_space<vmem>>, vector<48x1xi32>
    tpu.vector_store %arg3[%swap3A_262, %swap3A_263], %select_n3A_261 {strides = array<i32>} : memref<48x1xi32, #tpu.memory_space<vmem>>, vector<48x1xi32>,
    return
  }
}

module attributes {stable_mosaic.version = 14 : i64} {
  func.func @_mlp_body(%arg0: i32, %arg1: i32, %arg2: memref<40xi32, #tpu.memory_space<smem>>, %arg3: memref<1xi32, #tpu.memory_space<smem>>, %arg4: memref<128x1024xf32, #tpu.memory_space<vmem>>, %arg5: memref<1x1024x1024xf32, #tpu.memory_space<vmem>>, %arg6: memref<1x1024x1024xf32, #tpu.memory_space<vmem>>, %arg7: memref<1x1024x1024xf32, #tpu.memory_space<vmem>>, %arg8: memref<128x1xf32, #tpu.memory_space<vmem>>, %arg9: memref<128x1024xf32, #tpu.memory_space<vmem>>, %arg10: memref<5120x1024xf32, #tpu.memory_space<vmem>>) attributes {dimension_semantics = [#tpu.dimension_semantics<arbitrary>, #tpu.dimension_semantics<arbitrary>], iteration_bounds = array<i64: 4, 40>, scalar_prefetch = 2 : i64, scratch_operands = 1 : i64, tpu.core_type = #tpu.core_type<tc>, window_params = [{transform_indices = @transform_0, window_bounds = array<i64: 128, 1024>}, {transform_indices = @transform_1, window_bounds = array<i64: 1, 1024, 1024>}, {transform_indices = @transform_2, window_bounds = array<i64: 1, 1024, 1024>}, {transform_indices = @transform_3, window_bounds = array<i64: 1, 1024, 1024>}, {transform_indices = @transform_4, window_bounds = array<i64: 128, 1>}, {transform_indices = @transform_5, window_bounds = array<i64: 128, 1024>}]} {
    %get3A = arith.constant 0 : index
    %get3A_0 = memref.load %arg3[%get3A] : memref<1xi32, #tpu.memory_space<smem>>
    %lt3A = arith.cmpi slt, %arg1, %get3A_0 : i32
    %convert_element_type3A = arith.extui %lt3A : i1 to i32
    %cond3A = arith.constant 0 : i32
    %cond3A_1 = arith.cmpi ne, %convert_element_type3A, %cond3A : i32
    scf.if %cond3A_1 {
      %get3A_2 = arith.constant 0 : index
      %get3A_3 = arith.constant 0 : index
      %get3A_4 = vector.load %arg4[%get3A_2, %get3A_3] : memref<128x1024xf32, #tpu.memory_space<vmem>>, vector<128x1024xf32>
      %convert_element_type3A_5 = arith.truncf %get3A_4 : vector<128x1024xf32> to vector<128x1024xbf16>
      %get3A_6 = arith.constant 0 : index
      %get3A_7 = arith.constant 0 : index
      %get3A_8 = arith.constant 0 : index
      %get3A_9 = vector.load %arg5[%get3A_6, %get3A_7, %get3A_8] : memref<1x1024x1024xf32, #tpu.memory_space<vmem>>, vector<1x1024x1024xf32>
      %get3A_10 = vector.shape_cast %get3A_9 : vector<1x1024x1024xf32> to vector<1024x1024xf32>
      %convert_element_type3A_11 = arith.truncf %get3A_10 : vector<1024x1024xf32> to vector<1024x1024xbf16>
      %dot_general3A = arith.constant dense<0.000000e+00> : vector<128x1024xf32>
      %dot_general3A_12 = tpu.matmul %convert_element_type3A_5, %convert_element_type3A_11, %dot_general3A {dimension_numbers = #tpu.dot_dimension_numbers<[1], [0], [0], [1], [0, 0, 1, 1], [], []>, transpose_lhs_hint = false} : vector<128x1024xbf16>, vector<1024x1024xbf16>, vector<128x1024xf32> -> vector<128x1024xf32>
      %get3A_13 = arith.constant 0 : index
      %get3A_14 = arith.constant 0 : index
      %get3A_15 = arith.constant 0 : index
      %get3A_16 = vector.load %arg6[%get3A_13, %get3A_14, %get3A_15] : memref<1x1024x1024xf32, #tpu.memory_space<vmem>>, vector<1x1024x1024xf32>
      %get3A_17 = vector.shape_cast %get3A_16 : vector<1x1024x1024xf32> to vector<1024x1024xf32>
      %convert_element_type3A_18 = arith.truncf %get3A_17 : vector<1024x1024xf32> to vector<1024x1024xbf16>
      %dot_general3A_19 = arith.constant dense<0.000000e+00> : vector<128x1024xf32>
      %dot_general3A_20 = tpu.matmul %convert_element_type3A_5, %convert_element_type3A_18, %dot_general3A_19 {dimension_numbers = #tpu.dot_dimension_numbers<[1], [0], [0], [1], [0, 0, 1, 1], [], []>, transpose_lhs_hint = false} : vector<128x1024xbf16>, vector<1024x1024xbf16>, vector<128x1024xf32> -> vector<128x1024xf32>
      %logistic3A = arith.negf %dot_general3A_12 : vector<128x1024xf32>
      %logistic3A_21 = math.exp %logistic3A : vector<128x1024xf32>
      %logistic3A_22 = arith.constant 1.000000e+00 : f32
      %logistic3A_23 = vector.broadcast %logistic3A_22 : f32 to vector<128x1024xf32>
      %logistic3A_24 = arith.addf %logistic3A_23, %logistic3A_21 : vector<128x1024xf32>
      %logistic3A_25 = arith.divf %logistic3A_23, %logistic3A_24 : vector<128x1024xf32>
      %mul3A = arith.mulf %dot_general3A_12, %logistic3A_25 : vector<128x1024xf32>
      %mul3A_26 = arith.mulf %mul3A, %dot_general3A_20 : vector<128x1024xf32>
      %convert_element_type3A_27 = arith.truncf %mul3A_26 : vector<128x1024xf32> to vector<128x1024xbf16>
      %get3A_28 = arith.constant 0 : index
      %get3A_29 = arith.constant 0 : index
      %get3A_30 = arith.constant 0 : index
      %get3A_31 = vector.load %arg7[%get3A_28, %get3A_29, %get3A_30] : memref<1x1024x1024xf32, #tpu.memory_space<vmem>>, vector<1x1024x1024xf32>
      %get3A_32 = vector.shape_cast %get3A_31 : vector<1x1024x1024xf32> to vector<1024x1024xf32>
      %convert_element_type3A_33 = arith.truncf %get3A_32 : vector<1024x1024xf32> to vector<1024x1024xbf16>
      %dot_general3A_34 = arith.constant dense<0.000000e+00> : vector<128x1024xf32>
      %dot_general3A_35 = tpu.matmul %convert_element_type3A_27, %convert_element_type3A_33, %dot_general3A_34 {dimension_numbers = #tpu.dot_dimension_numbers<[1], [0], [0], [1], [0, 0, 1, 1], [], []>, transpose_lhs_hint = false} : vector<128x1024xbf16>, vector<1024x1024xbf16>, vector<128x1024xf32> -> vector<128x1024xf32>
      %mul3A_36 = arith.constant 128 : i32
      %mul3A_37 = arith.muli %arg1, %mul3A_36 : i32
      %eq3A = arith.constant 0 : i32
      %eq3A_38 = arith.cmpi eq, %arg0, %eq3A : i32
      %convert_element_type3A_39 = arith.extui %eq3A_38 : i1 to i32
      %cond3A_40 = arith.constant 0 : i32
      %cond3A_41 = arith.cmpi ne, %convert_element_type3A_39, %cond3A_40 : i32
      scf.if %cond3A_41 {
        %swap3A = arith.index_cast %mul3A_37 : i32 to index
        %swap3A_51 = arith.constant 0 : index
        %swap3A_52 = vector.load %arg10[%swap3A, %swap3A_51] : memref<5120x1024xf32, #tpu.memory_space<vmem>>, vector<128x1024xf32>
        tpu.vector_store %arg10[%swap3A, %swap3A_51], %dot_general3A_35 {strides = array<i32>} : memref<5120x1024xf32, #tpu.memory_space<vmem>>, vector<128x1024xf32>,
      } else {
      }
      %gt3A = arith.constant 0 : i32
      %gt3A_42 = arith.cmpi sgt, %arg0, %gt3A : i32
      %convert_element_type3A_43 = arith.extui %gt3A_42 : i1 to i32
      %cond3A_44 = arith.constant 0 : i32
      %cond3A_45 = arith.cmpi ne, %convert_element_type3A_43, %cond3A_44 : i32
      scf.if %cond3A_45 {
        %get3A_51 = arith.index_cast %mul3A_37 : i32 to index
        %get3A_52 = arith.constant 0 : index
        %get3A_53 = vector.load %arg10[%get3A_51, %get3A_52] : memref<5120x1024xf32, #tpu.memory_space<vmem>>, vector<128x1024xf32>
        %add3A = arith.addf %get3A_53, %dot_general3A_35 : vector<128x1024xf32>
        %swap3A = arith.index_cast %mul3A_37 : i32 to index
        %swap3A_54 = arith.constant 0 : index
        %swap3A_55 = vector.load %arg10[%swap3A, %swap3A_54] : memref<5120x1024xf32, #tpu.memory_space<vmem>>, vector<128x1024xf32>
        tpu.vector_store %arg10[%swap3A, %swap3A_54], %add3A {strides = array<i32>} : memref<5120x1024xf32, #tpu.memory_space<vmem>>, vector<128x1024xf32>,
      } else {
      }
      %eq3A_46 = arith.constant 3 : i32
      %eq3A_47 = arith.cmpi eq, %arg0, %eq3A_46 : i32
      %convert_element_type3A_48 = arith.extui %eq3A_47 : i1 to i32
      %cond3A_49 = arith.constant 0 : i32
      %cond3A_50 = arith.cmpi ne, %convert_element_type3A_48, %cond3A_49 : i32
      scf.if %cond3A_50 {
        %get3A_51 = arith.index_cast %mul3A_37 : i32 to index
        %get3A_52 = arith.constant 0 : index
        %get3A_53 = vector.load %arg10[%get3A_51, %get3A_52] : memref<5120x1024xf32, #tpu.memory_space<vmem>>, vector<128x1024xf32>
        %get3A_54 = arith.constant 0 : index
        %get3A_55 = arith.constant 0 : index
        %get3A_56 = vector.load %arg8[%get3A_54, %get3A_55] : memref<128x1xf32, #tpu.memory_space<vmem>>, vector<128x1xf32>
        %mul3A_57 = vector.broadcast %get3A_56 : vector<128x1xf32> to vector<128x1024xf32>
        %mul3A_58 = arith.mulf %get3A_53, %mul3A_57 : vector<128x1024xf32>
        %swap3A = arith.constant 0 : index
        %swap3A_59 = arith.constant 0 : index
        %swap3A_60 = vector.load %arg9[%swap3A, %swap3A_59] : memref<128x1024xf32, #tpu.memory_space<vmem>>, vector<128x1024xf32>
        tpu.vector_store %arg9[%swap3A, %swap3A_59], %mul3A_58 {strides = array<i32>} : memref<128x1024xf32, #tpu.memory_space<vmem>>, vector<128x1024xf32>,
      } else {
      }
    } else {
    }
    return
  }
  func.func @transform_0(%arg0: i32, %arg1: i32, %arg2: memref<40xi32, #tpu.memory_space<smem>>, %arg3: memref<1xi32, #tpu.memory_space<smem>>) -> (i32, i32) {
    %c0_i32 = arith.constant 0 : i32
    %c0_i32_0 = arith.constant 0 : i32
    return %arg1, %c0_i32 : i32, i32
  }
  func.func @transform_1(%arg0: i32, %arg1: i32, %arg2: memref<40xi32, #tpu.memory_space<smem>>, %arg3: memref<1xi32, #tpu.memory_space<smem>>) -> (i32, i32, i32) {
    %get3A = arith.index_cast %arg1 : i32 to index
    %get3A_0 = memref.load %arg2[%get3A] : memref<40xi32, #tpu.memory_space<smem>>
    %c0_i32 = arith.constant 0 : i32
    %c0_i32_1 = arith.constant 0 : i32
    return %get3A_0, %c0_i32, %arg0 : i32, i32, i32
  }
  func.func @transform_2(%arg0: i32, %arg1: i32, %arg2: memref<40xi32, #tpu.memory_space<smem>>, %arg3: memref<1xi32, #tpu.memory_space<smem>>) -> (i32, i32, i32) {
    %get3A = arith.index_cast %arg1 : i32 to index
    %get3A_0 = memref.load %arg2[%get3A] : memref<40xi32, #tpu.memory_space<smem>>
    %c0_i32 = arith.constant 0 : i32
    %c0_i32_1 = arith.constant 0 : i32
    return %get3A_0, %c0_i32, %arg0 : i32, i32, i32
  }
  func.func @transform_3(%arg0: i32, %arg1: i32, %arg2: memref<40xi32, #tpu.memory_space<smem>>, %arg3: memref<1xi32, #tpu.memory_space<smem>>) -> (i32, i32, i32) {
    %get3A = arith.index_cast %arg1 : i32 to index
    %get3A_0 = memref.load %arg2[%get3A] : memref<40xi32, #tpu.memory_space<smem>>
    %c0_i32 = arith.constant 0 : i32
    %c0_i32_1 = arith.constant 0 : i32
    return %get3A_0, %arg0, %c0_i32 : i32, i32, i32
  }
  func.func @transform_4(%arg0: i32, %arg1: i32, %arg2: memref<40xi32, #tpu.memory_space<smem>>, %arg3: memref<1xi32, #tpu.memory_space<smem>>) -> (i32, i32) {
    %c0_i32 = arith.constant 0 : i32
    %c0_i32_0 = arith.constant 0 : i32
    return %arg1, %c0_i32 : i32, i32
  }
  func.func @transform_5(%arg0: i32, %arg1: i32, %arg2: memref<40xi32, #tpu.memory_space<smem>>, %arg3: memref<1xi32, #tpu.memory_space<smem>>) -> (i32, i32) {
    %c0_i32 = arith.constant 0 : i32
    %c0_i32_0 = arith.constant 0 : i32
    return %arg1, %c0_i32 : i32, i32
  }
}

</mosaic_0001>

<sc_bundles>
// kernel: kernel.6.cloned.1.call-start
scs
__scs_entry_jumppad:
0x0: {  	(pc) =	sbr.rel $0x88, $3  }
0x1: {  	(tag) =	ssettag $0x0;
	lr =	simm.s32 $0x1  }
0x2: {  	[smem:$0x3F9C] =	sst lr;
	_ =	strace $0xD0000000  }
0x3: {  	_ = 	snop  }
0x4: {  	_ = 	snop  }
0x5: {  	_ = 	snop  }
0x6: {  	_ = 	snop  }
0x7: {  	_ = 	snop  }
__scs_overlays_trampoline_lowered:
0x8: {  	[smem:$0x3FAB] =	sst s0  }
0x9: {  	[smem:$0x3FAC] =	sst s1  }
0xa: {  	[smem:$0x3FAD] =	sst s2  }
0xb: {  	[smem:$0x3FAE] =	sst s3  }
0xc: {  	[smem:$0x3FAF] =	sst s4  }
0xd: {  	[smem:$0x3FB0] =	sst s5  }
0xe: {  	[smem:$0x3FB1] =	sst s6  }
0xf: {  	[smem:$0x3FB2] =	sst s7  }
0x10: {  	[smem:$0x3FB3] =	sst s8  }
0x11: {  	[smem:$0x3FB4] =	sst s9;
	s0 =	simm.s32 @!p0 $0x0  }
0x12: {  	s1 =	sld [smem:$0x3F9A];
	s0 =	simm.s32 @p0 $0x1  }
0x13: {  	[smem:$0x3FB5] =	sst s0;
	s0 =	simm.s32 @!p1 $0x0  }
0x14: {  	s2 =	sld [smem:$0x3F99];
	s0 =	simm.s32 @p1 $0x1  }
0x15: {  	[smem:$0x3FB6] =	sst s0;
	s0 =	simm.s32 @!p2 $0x0  }
0x16: {  	s3 =	sld [smem:$0x3FDB];
	s0 =	simm.s32 @p2 $0x1  }
0x17: {  	s4 =	simm.s32 $0x1BF5;
	[smem:$0x3FB8] =	sst s0  }
0x18: {  	s0 =	sld [smem:$0x3F9B];
	_ =	swait.ge [sflag:s4], $0x0  }
0x19: {  	s7 =	sld [smem:$0x3F9C]  }
0x1a: {  	s8 =	sadd.s32 $0xFFFFE003, lr  }
0x1b: {  	s9 =	sadd.s32 $0xFFFFFEF7, lr;
	s5 =	simm.s32 $0xFFFFFFFF;
	p2 =	slt.u32 s8, $0xFFFFF086  }
0x1c: {  	p1 =	slt.u32 s9, $0xF7A;
	s5 =	simm.s32 @!p2 $0x0  }
0x1d: {  	s5 =	simm.s32 @p1 $0x1;
	p0 =	seq.s32 s7, s2  }
0x1e: {  	s7 =	smul.u32 @!p0 $0xF7A, s2;
	p2 =	seq.s32 @!p0 s5, $0x0  }
0x1f: {  	s9 =	smul.u32 $0xF7A, s1;
	s8 =	simm.s32 @!p0 $0x1BF5;
	p2 =	por !p2, p0  }
0x20: {  	[sflag:s8] =	ssyncset.s32 @!p0 $0xFFFFF086;
	s6 =	sadd.s32 @!p0 s3, s7;
	s7 =	simm.s32 @!p0 $0x108  }
0x21: {  	s3 =	sadd.s32 s3, s9;
	s6 =	sadd.s32 @!p0 $0x88, s6;
	s7 =	simm.s32 @p2 $0x1082  }
0x22: {  	[simem:s7], [sflag:s8] =	dma.local @!p0 [hbm:s6], $0xF7A  }
0x23: {  	s9 =	sor.u32 $0xD0000000, s2;
	s6 =	simm.s32 $0x108;
	_ =	swait.ge @!p0 [sflag:s8], $0x0  }
0x24: {  	s3 =	sadd.s32 $0x88, s3;
	s6 =	simm.s32 @!p1 $0x1082;
	[sflag:s4] =	ssyncset.s32 $0xFFFFF086  }
0x25: {  	[simem:s6], [sflag:s4] =	dma.local [hbm:s3], $0xF7A  }
0x26: {  	[smem:$0x3F9C] =	sst s1;
	(tag) =	ssettag s2;
	_ =	strace s9  }
0x27: {  	s1 =	sld [smem:$0x3FAC]  }
0x28: {  	s2 =	sld [smem:$0x3FAD]  }
0x29: {  	s4 =	sld [smem:$0x3FAF]  }
0x2a: {  	p0 =	seq.s32 s5, $0x0;
	s5 =	sld [smem:$0x3FB0]  }
0x2b: {  	s6 =	sld [smem:$0x3FB1]  }
0x2c: {  	s7 =	sld [smem:$0x3FB2]  }
0x2d: {  	s3 =	simm.s32 $0x108;
	s8 =	sld [smem:$0x3FB3]  }
0x2e: {  	s3 =	simm.s32 @!p0 $0x1082;
	s9 =	sld [smem:$0x3FB4]  }
0x2f: {  	lr =	sadd.s32 s0, s3;
	s0 =	sld [smem:$0x3FAB]  }
0x30: {  	s3 =	sld [smem:$0x3FAE]  }
0x31: {  	[smem:$0x3FB7] =	sst s10  }
0x32: {  	s10 =	sld [smem:$0x3FB5];
	_ =	sdelay $0x3  }
0x33: {  	p0 =	seq.s32 s10, $0x1;
	s10 =	sld [smem:$0x3FB7];
	_ =	sdelay $0x3  }
0x34: {  	[smem:$0x3FB7] =	sst s10  }
0x35: {  	s10 =	sld [smem:$0x3FB6];
	_ =	sdelay $0x3  }
0x36: {  	p1 =	seq.s32 s10, $0x1;
	s10 =	sld [smem:$0x3FB7];
	_ =	sdelay $0x3  }
0x37: {  	[smem:$0x3FB7] =	sst s10  }
0x38: {  	s10 =	sld [smem:$0x3FB8]  }
0x39: {  	_ = 	snop;
	(pc) =	sbr.ind lr, $3  }
0x3a: {  	_ = 	snop  }
0x3b: {  	_ = 	snop  }
0x3c: {  	p2 =	seq.s32 s10, $0x1;
	s10 =	sld [smem:$0x3FB7]  }
0x3d: {  	_ =	shalt  }
0x3e: {  	_ =	shalt  }
0x3f: {  	_ =	shalt  }
0x40: {  	_ =	shalt  }
0x41: {  	_ =	shalt  }
0x42: {  	_ =	shalt  }
0x43: {  	_ =	shalt  }
0x44: {  	_ =	shalt  }
0x45: {  	_ =	shalt  }
0x46: {  	_ =	shalt  }
0x47: {  	_ =	shalt  }
0x48: {  	_ =	shalt  }
0x49: {  	_ =	shalt  }
0x4a: {  	_ =	shalt  }
0x4b: {  	_ =	shalt  }
0x4c: {  	_ =	shalt  }
0x4d: {  	_ =	shalt  }
0x4e: {  	_ =	shalt  }
0x4f: {  	_ =	shalt  }
0x50: {  	_ =	shalt  }
0x51: {  	_ =	shalt  }
0x52: {  	_ =	shalt  }
0x53: {  	_ =	shalt  }
0x54: {  	_ =	shalt  }
0x55: {  	_ =	shalt  }
0x56: {  	_ =	shalt  }
0x57: {  	_ =	shalt  }
0x58: {  	_ =	shalt  }
0x59: {  	_ =	shalt  }
0x5a: {  	_ =	shalt  }
0x5b: {  	_ =	shalt  }
0x5c: {  	_ =	shalt  }
0x5d: {  	_ =	shalt  }
0x5e: {  	_ =	shalt  }
0x5f: {  	_ =	shalt  }
0x60: {  	_ =	shalt  }
0x61: {  	_ =	shalt  }
0x62: {  	_ =	shalt  }
0x63: {  	_ =	shalt  }
0x64: {  	_ =	shalt  }
0x65: {  	_ =	shalt  }
0x66: {  	_ =	shalt  }
0x67: {  	_ =	shalt  }
0x68: {  	_ =	shalt  }
0x69: {  	_ =	shalt  }
0x6a: {  	_ =	shalt  }
0x6b: {  	_ =	shalt  }
0x6c: {  	_ =	shalt  }
0x6d: {  	_ =	shalt  }
0x6e: {  	_ =	shalt  }
0x6f: {  	_ =	shalt  }
0x70: {  	_ =	shalt  }
0x71: {  	_ =	shalt  }
0x72: {  	_ =	shalt  }
0x73: {  	_ =	shalt  }
0x74: {  	_ =	shalt  }
0x75: {  	_ =	shalt  }
0x76: {  	_ =	shalt  }
0x77: {  	_ =	shalt  }
0x78: {  	_ =	shalt  }
0x79: {  	_ =	shalt  }
0x7a: {  	_ =	shalt  }
0x7b: {  	_ =	shalt  }
0x7c: {  	_ =	shalt  }
0x7d: {  	_ =	shalt  }
0x7e: {  	_ =	shalt  }
0x7f: {  	_ =	shalt  }
0x80: {  	_ =	shalt  }
0x81: {  	_ =	shalt  }
0x82: {  	_ =	shalt  }
0x83: {  	_ =	shalt  }
0x84: {  	_ =	shalt  }
0x85: {  	_ =	shalt  }
0x86: {  	_ =	shalt  }
0x87: {  	_ =	shalt  }
.Lfunc_end0:
.L_simem_size_0:
called_computation_lowered:
.L_overlay_start_0:
0x88: {  	s2 =	sld [smem:$0x3FD9]  }
0x89: {  	s3 =	sld [smem:$0x3FFE];
	_ =	sdelay $0x1  }
0x8a: {  	s1 =	srdreg.scid  }
0x8b: {  	s0 =	sand.u32 $0x1, s1  }
0x8c: {  	s17 =	sshll.u32 s0, $0xA;
	s2 =	sadd.s32 s3, s2  }
0x8d: {  	s2 =	sadd.s32 s2, s17  }
0x8e: {  	[smem:$0x3FC3] =	sst s2  }
0x8f: {  	_ = 	snop  }
0x90: {  	s2 =	sld [smem:$0x3FC9]  }
0x91: {  	s18 =	sld [smem:$0x3FD0];
	(tm) =	ssettm $0x1  }
0x92: {  	s4 =	sld [smem:$0x3FFB];
	_ =	sdelay $0x3  }
0x93: {  	_ =	strace s4  }
0x94: {  	s4 =	sld [smem:$0x3FFC];
	_ =	sdelay $0x3  }
0x95: {  	_ =	strace s4  }
0x96: {  	s4 =	sld [smem:$0x3FFD];
	_ =	sdelay $0x3  }
0x97: {  	_ =	strace s4  }
0x98: {  	_ =	strace $0x8FFFFFFF  }
0x99: {  	s19 =	sld [smem:$0x3FDB];
	_ =	sdelay $0x1  }
0x9a: {  	s5 =	simm.s32 $_scs_section_size  }
0x9b: {  	s6 =	simm.s32 $_size__tile_overlayer_lowered;
	s7 =	simm.s32 $_tile_overlayer_lowered  }
0x9c: {  	s22 =	simm.s32 $0x1BFF;
	s21 =	sshll.u32 s7, $0x1;
	s4 =	sadd.s32 s5, s19  }
0x9d: {  	s8 =	simm.s32 $0x0;
	s20 =	sshll.u32 s6, $0x1;
	s6 =	sadd.s32 s21, s4  }
0x9e: {  	[timem:s8], [sflag:s22] =	dma.local [hbm:s6], s20  }
0x9f: {  	_ =	swait.ge [sflag:s22], s20  }
0xa0: {  	s5 =	ssub.s32 $0x0, s20;
	[sflag:s22] =	ssyncset.done $0x0  }
0xa1: {  	[sflag:s22] =	ssyncadd.s32 s5;
	_ =	sdelay $0x1  }
0xa2: {  	s23 =	simm.s32 $0x1B8B  }
0xa3: {  	_ =	swait.ge [sflag:s23], $0x1  }
0xa4: {  	[sflag:s23] =	ssyncset.done $0x0  }
0xa5: {  	s25 =	simm.s32 $0x1B8E;
	s24 =	sld [smem:$0x3FFE];
	[sflag:s23] =	ssyncadd.s32 $0xFFFFFFFF  }
0xa6: {  	s26 =	simm.s32 $execute0_lowered;
	[smem:$0x3FD2] =	sst s25  }
0xa7: {  	s6 =	sshll.u32 s26, $0x1;
	_ =	strace $0x80000046;
	[dreg:$0x1] =	wrdreg $0xFFFFFFFF  }
0xa8: {  	s28 =	simm.s32 $_size_execute0_lowered;
	s4 =	sadd.s32 s4, s6;
	[dreg:$0x0] =	wrdreg $0x0  }
0xa9: {  	s6 =	sshll.u32 s28, $0x1;
	[dreg:$0x2] =	wrdreg s4  }
0xaa: {  	[dreg:$0x3] =	wrdreg s6  }
0xab: {  	[dreg:$0x4] =	wrdreg $0xC0  }
0xac: {  	_ =	task [dreg:s8], $0x5FFFF  }
0xad: {  	[dreg:$0x1] =	wrdreg $0xFFFFFFFF  }
0xae: {  	[dreg:$0x0] =	wrdreg $0x60  }
0xaf: {  	[dreg:$0x2] =	wrdreg s24  }
0xb0: {  	[dreg:$0x3] =	wrdreg s18  }
0xb1: {  	[dreg:$0x4] =	wrdreg s2  }
0xb2: {  	[dreg:$0x5] =	wrdreg $0x9  }
0xb3: {  	_ =	task.clear_ibuf [dreg:s8], $0x6FFFF;
	_ =	strace $0x90000046  }
0xb4: {  	s29 =	simm.s32 $0x9;
	_ =	strace $0x80000048  }
0xb5: {  	_ =	swait.ge [sflag:s29], $0x1  }
0xb6: {  	[sflag:s29] =	ssyncadd.s32 $0xFFFFFFFF  }
0xb7: {  	_ =	strace $0x90000048  }
0xb8: {  	_ =	sfence  }
0xb9: {  	s30 =	sld [smem:$0x0];
	_ =	sdelay $0x2  }
0xba: {  	s31 =	sshll.u32 s1, $0xD;
	s1 =	sshrl.u32 s1, $0x2  }
0xbb: {  	s3 =	sand.u32 $0x4000, s31;
	s1 =	sadd.s32 s1, s30  }
0xbc: {  	s0 =	sor.u32 s3, s0;
	s1 =	sshll.u32 s1, $0x11  }
0xbd: {  	s0 =	sor.u32 s1, s0  }
0xbe: {  	s0 =	sadd.s32 $0x8F2B, s0  }
0xbf: {  	[sflag:s0] =	ssyncadd.remote.s32 $0x1  }
0xc0: {  	_ =	sfence.sel $0xFFFF  }
0xc1: {  	[dreg:$0x0] =	wrdreg $0xFFFFFFFF;
	(pc) =	sbr.abs _section_cstart, $3  }
0xc2: {  	[dreg:$0x1] =	wrdreg $0xFFFFFFFF  }
0xc3: {  	_ =	task.clear_ibuf [dreg:s8], $0x2FFFF;
	_ =	strace $0x9FFFFFFF  }
0xc4: {  	(tm) =	ssettm $0x7FFFFFFF  }
0xc5: {  	_ =	shalt  }
tec
execute0_lowered:
.L_overlay_start_1:
0x0: {  	(tag) =	ssettag $0x1  }
0x1: {  	s8 =	rddreg [dreg:$0x0];
	s0 =	srdreg.scid  }
0x2: {  	s1 =	stileid.u32;
	s4 =	rddreg [dreg:$0x2];
	s5 =	simm.s32 $0x0  }
0x3: {  	s30 =	simm.s32 $0x3;
	s11 =	simm.s32 $0x7080;
	s0 =	sand.u32 $0x1, s0  }
0x4: {  	s1 =	sshll.u32 s1, $0x1;
	[smem:$0x7FF] =	sst s5;
	s2 =	sadd.s32 $0x200, s8  }
0x5: {  	s12 =	sadd.s32 $0x800, s8;
	s13 =	sadd.s32 $0x100, s4;
	s1 =	sor.u32 s0, s1  }
0x6: {  	_ =	strace $0x80000047;
	s0 =	ssub.s32 $0x2, s0;
	s6 =	smul.u32 $0xA0, s1  }
0x7: {  	[dreg:$0xa] =	wrdreg s2;
	s14 =	sshrl.u32 s0, $0x1;
	s15 =	smul.u32 $0x28000, s1  }
0x8: {  	s1 =	smul.u32 $0x5000, s1;
	s0 =	ssub.s32 s0, s14;
	s17 =	sadd.s32 $0x90, s6  }
0x9: {  	s14 =	sadd.s32 $0x200, s4;
	s18 =	sadd.s32 $0x3400, s6;
	[dreg:$0xf] =	wrdreg s17  }
0xa: {  	s3 =	sshrl.u32 s6, $0x3;
	s1 =	sadd.s32 s12, s1;
	[dreg:$0xc] =	wrdreg s18  }
0xb: {  	s16 =	sadd.s32 $0x80, s6;
	s10 =	sand.u32 $0x60, s6;
	[dreg:$0x5] =	wrdreg s1  }
0xc: {  	s19 =	sshrl.u32 s15, $0x3;
	s0 =	smax.u32 s0, $0x1;
	[dreg:$0x4] =	wrdreg s16  }
0xd: {  	s15 =	sadd.s32 $0x300, s4;
	s23 =	sor.u32 $0x10, s6;
	[dreg:$0xd] =	wrdreg s0  }
0xe: {  	s24 =	sadd.s32 $0x20, s6;
	s25 =	sadd.s32 $0x30, s6;
	[dreg:$0x10] =	wrdreg s23  }
0xf: {  	s26 =	sadd.s32 $0x40, s6;
	s31 =	sadd.s32 $0x50, s6;
	[dreg:$0x11] =	wrdreg s24  }
0x10: {  	s28 =	sadd.s32 $0x60, s6;
	s29 =	sadd.s32 $0x70, s6;
	[dreg:$0x12] =	wrdreg s25  }
0x11: {  	s3 =	sadd.s32 s3, s8;
	s9 =	sand.u32 $0x3F80, s16;
	[dreg:$0x13] =	wrdreg s26  }
0x12: {  	s21 =	sshll.u32 s16, $0x7;
	[dreg:$0x14] =	wrdreg s31;
	s0 =	simm.s32 $0x2000  }
0x13: {  	s8 =	simm.s32 $0x9080;
	s17 =	simm.s32 $0x0;
	s7 =	sor.u32 s10, s9  }
0x14: {  	s3 =	sadd.s32 $0x400, s3;
	s1 =	sadd.s32 s12, s21;
	[dreg:$0xe] =	wrdreg s7  }
.Ltmp0:
0x15: {  	[dreg:$0xb] =	wrdreg s3;
	s3 =	sadd.s32 s12, s19;
	(pc) =	sbr.rel .LBB2_1-.Ltmp0, $4  }
0x16: {  	s21 =	simm.s32 $0x8080;
	[dreg:$0x9] =	wrdreg s1;
	s20 =	sadd.s32 $0x1000, s3  }
0x17: {  	v0 =	vimm.s32 $0x0;
	v1 =	vlaneseq.u32;
	s19 =	simm.s32 $0x3400;
	s22 =	sadd.s32 $0x2000, s3;
	[dreg:$0x6] =	wrdreg s20  }
0x18: {  	v2 =	vimm.f32 $0.0e+00;
	vm0 =	vmmov $0xffff;
	v4 =	vshrl.u32 v1, $0x3;
	s7 =	simm.s32 $0x6880;
	s3 =	sadd.s32 $0x3000, s3;
	[dreg:$0x7] =	wrdreg s22  }
0x19: {  	v3 =	vand.u32 $0x7, v1;
	v5 =	vor.u32 $0x8, v1;
	v4 =	vmul.u32 $0x8, v4;
	[dreg:$0x8] =	wrdreg s3;
	s20 =	simm.s32 $0x4880;
	s3 =	simm.s32 $0x8880  }
.LBB2_11:
0x1a: {  	s1 =	rddreg [dreg:$0x4]  }
0x1b: {  	v6 =	vld [tilespmem:s1+$0x2000];
	_ =	sdelay $0x4  }
0x1c: {  	v7 =	vshll.u32 v6, $0x3  }
0x1d: {  	v6 =	vand.u32 $0x7, v6;
	v7 =	vand.u32 $0xFFFFFFC0, v7  }
0x1e: {  	v6 =	vor.u32 v6, v7  }
0x1f: {  	v7 =	vperm.xlane v6, v3;
	_ =	sdelay $0x1  }
0x20: {  	v7 =	vadd.s32 v4, v7;
	_ =	sdelay $0x4  }
0x21: {  	[tilespmem:s20], [sflag:$0x1] =	stream.indirect_vreg.gather [hbm4b:s4+s5], $0x80, v7, vm0, $0xb8;
	[tilespmem:$0x14880] =	vst v63  }
0x22: {  	v6 =	vperm.xlane v6, v5  }
0x23: {  	[tilespmem:s26], [sflag:$0x1] =	stream.indirect_vreg.gather [hbm4b:s13+s5], $0x80, v7, vm0, $0xb8;
	[tilespmem:$0x14880] =	vst v63  }
0x24: {  	v6 =	vadd.s32 v4, v6  }
0x25: {  	[tilespmem:s25], [sflag:$0x1] =	stream.indirect_vreg.gather [hbm4b:s14+s5], $0x80, v7, vm0, $0xb8;
	[tilespmem:$0x14880] =	vst v63  }
0x26: {  	_ = 	snop  }
0x27: {  	[tilespmem:s16], [sflag:$0x1] =	stream.indirect_vreg.gather [hbm4b:s15+s5], $0x80, v7, vm0, $0xb8;
	[tilespmem:$0x14880] =	vst v63  }
0x28: {  	_ = 	snop  }
0x29: {  	[tilespmem:s7], [sflag:$0x1] =	stream.indirect_vreg.gather [hbm4b:s4+s5], $0x80, v6, vm0, $0xb8;
	[tilespmem:$0x14880] =	vst v63  }
0x2a: {  	_ = 	snop  }
0x2b: {  	[tilespmem:s11], [sflag:$0x1] =	stream.indirect_vreg.gather [hbm4b:s13+s5], $0x80, v6, vm0, $0xb8;
	[tilespmem:$0x14880] =	vst v63  }
0x2c: {  	_ = 	snop  }
0x2d: {  	[tilespmem:s12], [sflag:$0x1] =	stream.indirect_vreg.gather [hbm4b:s14+s5], $0x80, v6, vm0, $0xb8;
	[tilespmem:$0x14880] =	vst v63  }
0x2e: {  	_ = 	snop  }
0x2f: {  	[tilespmem:s21], [sflag:$0x1] =	stream.indirect_vreg.gather [hbm4b:s15+s5], $0x80, v6, vm0, $0xb8;
	[tilespmem:$0x14880] =	vst v63  }
0x30: {  	v6 =	vld [tilespmem:s1+$0x2010];
	_ =	sdelay $0x4  }
0x31: {  	v7 =	vshll.u32 v6, $0x3  }
0x32: {  	v6 =	vand.u32 $0x7, v6;
	v7 =	vand.u32 $0xFFFFFFC0, v7  }
0x33: {  	v6 =	vor.u32 v6, v7  }
0x34: {  	v7 =	vperm.xlane v6, v3;
	_ =	sdelay $0x1  }
0x35: {  	v7 =	vadd.s32 v4, v7;
	_ =	sdelay $0x4  }
0x36: {  	[tilespmem:s3], [sflag:$0x1] =	stream.indirect_vreg.gather [hbm4b:s4+s5], $0x80, v7, vm0, $0xb8;
	[tilespmem:$0x14880] =	vst v63  }
0x37: {  	v6 =	vperm.xlane v6, v5  }
0x38: {  	[tilespmem:s8], [sflag:$0x1] =	stream.indirect_vreg.gather [hbm4b:s13+s5], $0x80, v7, vm0, $0xb8;
	[tilespmem:$0x14880] =	vst v63  }
0x39: {  	v6 =	vadd.s32 v4, v6  }
0x3a: {  	[tilespmem:s31], [sflag:$0x1] =	stream.indirect_vreg.gather [hbm4b:s14+s5], $0x80, v7, vm0, $0xb8;
	[tilespmem:$0x14880] =	vst v63  }
0x3b: {  	_ = 	snop  }
0x3c: {  	[tilespmem:s18], [sflag:$0x1] =	stream.indirect_vreg.gather [hbm4b:s15+s5], $0x80, v7, vm0, $0xb8;
	[tilespmem:$0x14880] =	vst v63  }
0x3d: {  	_ = 	snop  }
0x3e: {  	[tilespmem:s9], [sflag:$0x1] =	stream.indirect_vreg.gather [hbm4b:s4+s5], $0x80, v6, vm0, $0xb8;
	[tilespmem:$0x14880] =	vst v63  }
0x3f: {  	_ = 	snop  }
0x40: {  	[tilespmem:s22], [sflag:$0x1] =	stream.indirect_vreg.gather [hbm4b:s13+s5], $0x80, v6, vm0, $0xb8;
	[tilespmem:$0x14880] =	vst v63  }
0x41: {  	_ = 	snop  }
0x42: {  	[tilespmem:s10], [sflag:$0x1] =	stream.indirect_vreg.gather [hbm4b:s14+s5], $0x80, v6, vm0, $0xb8;
	[tilespmem:$0x14880] =	vst v63  }
0x43: {  	_ = 	snop  }
0x44: {  	[tilespmem:s23], [sflag:$0x1] =	stream.indirect_vreg.gather [hbm4b:s15+s5], $0x80, v6, vm0, $0xb8;
	[tilespmem:$0x14880] =	vst v63  }
.LBB2_13:
0x45: {  	s1 =	simm.s32 $0x2  }
0x46: {  	_ =	swait.ge [sflag:s1], $0x8000  }
0x47: {  	[sflag:s1] =	ssyncset.done $0x0  }
0x48: {  	s31 =	rddreg [dreg:$0x8];
	[sflag:s1] =	ssyncadd.s32 $0xFFFF8000  }
0x49: {  	[hbm4b:s31+s5] =	stream.linear.scatter [tilespmem:s24], [sflag:$0x3], $0x8000, $0x38;
	[tilespmem:$0x14880] =	vst v63  }
0x4a: {  	_ =	swait.ge [sflag:s30], $0x8000  }
0x4b: {  	[sflag:s30] =	ssyncset.done $0x0  }
0x4c: {  	s1 =	simm.s32 @!p0 $0x1;
	[sflag:s30] =	ssyncadd.s32 $0xFFFF8000  }
0x4d: {  	_ =	swait.ge @!p0 [sflag:s1], $0x8000  }
0x4e: {  	s2 =	simm.s32 @!p0 $0x4880;
	[sflag:s1] =	ssyncset.done @!p0 $0x0  }
0x4f: {  	s16 =	rddreg [dreg:$0x9];
	[sflag:s1] =	ssyncadd.s32 @!p0 $0xFFFF8000;
	s1 =	simm.s32 @!p0 $0x0  }
0x50: {  	[hbm4b:s16+s1] =	stream.linear.scatter @!p0 [tilespmem:s2], [sflag:$0x3], $0x8000, $0x38;
	[tilespmem:$0x14880] =	vst v63  }
0x51: {  	s1 =	simm.s32 @!p0 $0x3  }
0x52: {  	_ =	swait.ge @!p0 [sflag:s1], $0x8000  }
0x53: {  	[sflag:s1] =	ssyncset.done @!p0 $0x0  }
0x54: {  	[sflag:s1] =	ssyncadd.s32 @!p0 $0xFFFF8000  }
.LBB2_14:
0x55: {  	s17 =	sadd.s32 $0x1, s17;
	s1 =	rddreg [dreg:$0xd]  }
0x56: {  	p0 =	sne.s32 s17, s1  }
.Ltmp1:
0x57: {  	_ = 	snop;
	(pc) =	sbr.rel @!p0 .LBB2_15-.Ltmp1, $1  }
0x58: {  	_ =	sdelay $0x3  }
.LBB2_1:
0x59: {  	s1 =	rddreg [dreg:$0x0]  }
0x5a: {  	[tilespmem:s5], [sflag:$0x3] =	stream.linear.gather [hbm4b:s1+s5], $0x1000, $0x38;
	[tilespmem:$0x14880] =	vst v63  }
0x5b: {  	_ =	swait.ge [sflag:s30], $0x1000  }
0x5c: {  	[sflag:s30] =	ssyncset.done $0x0  }
0x5d: {  	[sflag:s30] =	ssyncadd.s32 $0xFFFFF000  }
0x5e: {  	s2 =	simm.s32 $0x1000;
	s9 =	rddreg [dreg:$0x1]  }
0x5f: {  	[tilespmem:s2], [sflag:$0x3] =	stream.linear.gather [hbm4b:s9+s5], $0x1000, $0x38;
	[tilespmem:$0x14880] =	vst v63  }
0x60: {  	_ =	swait.ge [sflag:s30], $0x1000  }
0x61: {  	[sflag:s30] =	ssyncset.done $0x0  }
0x62: {  	s10 =	simm.s32 $0x4800;
	s12 =	rddreg [dreg:$0xa];
	[sflag:s30] =	ssyncadd.s32 $0xFFFFF000  }
0x63: {  	[tilespmem:s10], [sflag:$0x3] =	stream.linear.gather [hbm4b:s12+s5], $0x80, $0x38;
	[tilespmem:$0x14880] =	vst v63  }
0x64: {  	_ =	swait.ge [sflag:s30], $0x80  }
0x65: {  	[sflag:s30] =	ssyncset.done $0x0  }
0x66: {  	[sflag:s30] =	ssyncadd.s32 $0xFFFFFF80  }
0x67: {  	v6 =	vld [tilespmem:$0x4820];
	[tilespmem:s6+$0x2000] =	vst v0  }
0x68: {  	s16 =	rddreg [dreg:$0x10];
	[tilespmem:s6+$0x3400] =	vst v2  }
0x69: {  	[tilespmem:s16+$0x2000] =	vst v0  }
0x6a: {  	s18 =	rddreg [dreg:$0x11];
	[tilespmem:s16+$0x3400] =	vst v2  }
0x6b: {  	[tilespmem:s18+$0x2000] =	vst v0  }
0x6c: {  	s22 =	rddreg [dreg:$0x12];
	[tilespmem:s18+$0x3400] =	vst v2  }
0x6d: {  	[tilespmem:s22+$0x2000] =	vst v0  }
0x6e: {  	s23 =	rddreg [dreg:$0x13];
	[tilespmem:s22+$0x3400] =	vst v2  }
0x6f: {  	[tilespmem:s23+$0x2000] =	vst v0  }
0x70: {  	s24 =	rddreg [dreg:$0x14];
	[tilespmem:s23+$0x3400] =	vst v2  }
0x71: {  	[tilespmem:s24+$0x2000] =	vst v0  }
0x72: {  	[tilespmem:s24+$0x3400] =	vst v2  }
0x73: {  	[tilespmem:s28+$0x2000] =	vst v0  }
0x74: {  	[tilespmem:s28+$0x3400] =	vst v2  }
0x75: {  	[tilespmem:s29+$0x2000] =	vst v0  }
0x76: {  	s25 =	rddreg [dreg:$0xe];
	[tilespmem:s29+$0x3400] =	vst v2  }
0x77: {  	[tilespmem:s25+$0x2000] =	vst v0  }
0x78: {  	s26 =	rddreg [dreg:$0xf];
	[tilespmem:s25+$0x3400] =	vst v2  }
0x79: {  	s31 =	simm.s32 $0x20;
	[tilespmem:s26+$0x2000] =	vst v0  }
0x7a: {  	s1 =	simm.s32 $0xFFFFFFFC;
	s2 =	simm.s32 $0x1020;
	s18 =	simm.s32 $0x0;
	[tilespmem:s26+$0x3400] =	vst v2  }
.LBB2_2:
0x7b: {  	v7 =	vld [tilespmem:s31+$0xFFFFFFE0];
	_ =	sdelay $0x5  }
0x7c: {  	v8 =	vor.u32 s18, v1  }
0x7d: {  	v8 =	vand.u32 $0x7CF, v8  }
0x7e: {  	[tilespmem:v7+s0+$0x0] =	vst.idx.msk $0xffff, v8  }
0x7f: {  	v8 =	vld [tilespmem:s2+$0xFFFFFFE0];
	_ =	sdelay $0x4  }
0x80: {  	[tilespmem:v7+s19+$0x0] =	vst.idx.msk $0xffff, v8  }
0x81: {  	v7 =	vld [tilespmem:s31+$0xFFFFFFF0];
	_ =	sdelay $0x4  }
0x82: {  	s16 =	sadd.s32 $0x10, s18  }
0x83: {  	v8 =	vor.u32 s16, v1  }
0x84: {  	v8 =	vand.u32 $0x7DF, v8  }
0x85: {  	[tilespmem:v7+s0+$0x0] =	vst.idx.msk $0xffff, v8  }
0x86: {  	v8 =	vld [tilespmem:s2+$0xFFFFFFF0];
	_ =	sdelay $0x4  }
0x87: {  	[tilespmem:v7+s19+$0x0] =	vst.idx.msk $0xffff, v8  }
0x88: {  	v7 =	vld [tilespmem:s31+$0x0];
	_ =	sdelay $0x4  }
0x89: {  	s25 =	sadd.s32 $0x20, s18  }
0x8a: {  	v8 =	vor.u32 s25, v1  }
0x8b: {  	v8 =	vand.u32 $0x7EF, v8  }
0x8c: {  	[tilespmem:v7+s0+$0x0] =	vst.idx.msk $0xffff, v8  }
0x8d: {  	v8 =	vld [tilespmem:s2+$0x0];
	_ =	sdelay $0x4  }
0x8e: {  	[tilespmem:v7+s19+$0x0] =	vst.idx.msk $0xffff, v8  }
0x8f: {  	v7 =	vld [tilespmem:s31+$0x10];
	_ =	sdelay $0x4  }
0x90: {  	s26 =	sadd.s32 $0x30, s18  }
0x91: {  	v8 =	vor.u32 s26, v1  }
0x92: {  	v8 =	vand.u32 $0x7FF, v8  }
0x93: {  	s1 =	sadd.s32 $0x4, s1;
	[tilespmem:v7+s0+$0x0] =	vst.idx.msk $0xffff, v8  }
0x94: {  	p0 =	slt.u32 s1, $0xFC;
	v8 =	vld [tilespmem:s2+$0x10]  }
.Ltmp2:
0x95: {  	_ = 	snop;
	(pc) =	sbr.rel @p0 .LBB2_2-.Ltmp2, $2  }
0x96: {  	_ =	sdelay $0x2  }
0x97: {  	s18 =	sadd.s32 $0x40, s18;
	s31 =	sadd.s32 $0x40, s31;
	s2 =	sadd.s32 $0x40, s2;
	[tilespmem:v7+s19+$0x0] =	vst.idx.msk $0xffff, v8  }
0x98: {  	(v2sf) =	vpush v6, $0x8;
	_ =	sdelay $0xe  }
0x99: {  	s1 =	spop (v2sf)  }
0x9a: {  	s1 =	sshll.u32 s1, $0x7  }
0x9b: {  	s1 =	ssub.s32 s1, s6  }
0x9c: {  	s2 =	rddreg [dreg:$0xb];
	p0 =	slt.s32 s1, $0x1  }
.Ltmp3:
0x9d: {  	s12 =	rddreg [dreg:$0xc];
	(pc) =	sbr.rel @p0 .LBB2_14-.Ltmp3, $4  }
0x9e: {  	[hbm4b:s2+s5] =	stream.linear.scatter [tilespmem:s12], [sflag:$0x3], $0xA0, $0x38;
	[tilespmem:$0x14880] =	vst v63  }
0x9f: {  	_ =	swait.ge [sflag:s30], $0xA0  }
0xa0: {  	s16 =	simm.s32 $0x9880;
	[sflag:s30] =	ssyncset.done $0x0  }
0xa1: {  	s2 =	simm.s32 $0x6080;
	s12 =	simm.s32 $0x7880;
	[sflag:s30] =	ssyncadd.s32 $0xFFFFFF60  }
0xa2: {  	v6 =	vld [tilespmem:s6+$0x2000];
	_ =	sdelay $0x4  }
0xa3: {  	v7 =	vshll.u32 v6, $0x3  }
0xa4: {  	v6 =	vand.u32 $0x7, v6;
	v7 =	vand.u32 $0xFFFFFFC0, v7  }
0xa5: {  	v6 =	vor.u32 v6, v7  }
0xa6: {  	v7 =	vperm.xlane v6, v3;
	_ =	sdelay $0x1  }
0xa7: {  	v7 =	vadd.s32 v4, v7;
	_ =	sdelay $0x4  }
0xa8: {  	[tilespmem:s20], [sflag:$0x1] =	stream.indirect_vreg.gather [hbm4b:s4+s5], $0x80, v7, vm0, $0xb8;
	[tilespmem:$0x14880] =	vst v63  }
0xa9: {  	s25 =	simm.s32 $0x5080;
	v6 =	vperm.xlane v6, v5  }
0xaa: {  	[tilespmem:s25], [sflag:$0x1] =	stream.indirect_vreg.gather [hbm4b:s13+s5], $0x80, v7, vm0, $0xb8;
	[tilespmem:$0x14880] =	vst v63  }
0xab: {  	s22 =	simm.s32 $0x5880;
	v6 =	vadd.s32 v4, v6  }
0xac: {  	[tilespmem:s22], [sflag:$0x1] =	stream.indirect_vreg.gather [hbm4b:s14+s5], $0x80, v7, vm0, $0xb8;
	[tilespmem:$0x14880] =	vst v63  }
0xad: {  	_ = 	snop  }
0xae: {  	[tilespmem:s2], [sflag:$0x1] =	stream.indirect_vreg.gather [hbm4b:s15+s5], $0x80, v7, vm0, $0xb8;
	[tilespmem:$0x14880] =	vst v63  }
0xaf: {  	_ = 	snop  }
0xb0: {  	[tilespmem:s7], [sflag:$0x1] =	stream.indirect_vreg.gather [hbm4b:s4+s5], $0x80, v6, vm0, $0xb8;
	[tilespmem:$0x14880] =	vst v63  }
0xb1: {  	_ = 	snop  }
0xb2: {  	[tilespmem:s11], [sflag:$0x1] =	stream.indirect_vreg.gather [hbm4b:s13+s5], $0x80, v6, vm0, $0xb8;
	[tilespmem:$0x14880] =	vst v63  }
0xb3: {  	_ = 	snop  }
0xb4: {  	[tilespmem:s12], [sflag:$0x1] =	stream.indirect_vreg.gather [hbm4b:s14+s5], $0x80, v6, vm0, $0xb8;
	[tilespmem:$0x14880] =	vst v63  }
0xb5: {  	_ = 	snop  }
0xb6: {  	[tilespmem:s21], [sflag:$0x1] =	stream.indirect_vreg.gather [hbm4b:s15+s5], $0x80, v6, vm0, $0xb8;
	[tilespmem:$0x14880] =	vst v63  }
0xb7: {  	v6 =	vld [tilespmem:s6+$0x2010];
	_ =	sdelay $0x4  }
0xb8: {  	v7 =	vshll.u32 v6, $0x3  }
0xb9: {  	v6 =	vand.u32 $0x7, v6;
	v7 =	vand.u32 $0xFFFFFFC0, v7  }
0xba: {  	v6 =	vor.u32 v6, v7  }
0xbb: {  	v7 =	vperm.xlane v6, v3;
	_ =	sdelay $0x1  }
0xbc: {  	v7 =	vadd.s32 v4, v7;
	_ =	sdelay $0x4  }
0xbd: {  	[tilespmem:s3], [sflag:$0x1] =	stream.indirect_vreg.gather [hbm4b:s4+s5], $0x80, v7, vm0, $0xb8;
	[tilespmem:$0x14880] =	vst v63  }
0xbe: {  	v6 =	vperm.xlane v6, v5  }
0xbf: {  	[tilespmem:s8], [sflag:$0x1] =	stream.indirect_vreg.gather [hbm4b:s13+s5], $0x80, v7, vm0, $0xb8;
	[tilespmem:$0x14880] =	vst v63  }
0xc0: {  	v6 =	vadd.s32 v4, v6  }
0xc1: {  	[tilespmem:s16], [sflag:$0x1] =	stream.indirect_vreg.gather [hbm4b:s14+s5], $0x80, v7, vm0, $0xb8;
	[tilespmem:$0x14880] =	vst v63  }
0xc2: {  	s31 =	simm.s32 $0xA080  }
0xc3: {  	[tilespmem:s31], [sflag:$0x1] =	stream.indirect_vreg.gather [hbm4b:s15+s5], $0x80, v7, vm0, $0xb8;
	[tilespmem:$0x14880] =	vst v63  }
0xc4: {  	s8 =	simm.s32 $0xA880  }
0xc5: {  	[tilespmem:s8], [sflag:$0x1] =	stream.indirect_vreg.gather [hbm4b:s4+s5], $0x80, v6, vm0, $0xb8;
	[tilespmem:$0x14880] =	vst v63  }
0xc6: {  	s10 =	simm.s32 $0xB080  }
0xc7: {  	[tilespmem:s10], [sflag:$0x1] =	stream.indirect_vreg.gather [hbm4b:s13+s5], $0x80, v6, vm0, $0xb8;
	[tilespmem:$0x14880] =	vst v63  }
0xc8: {  	s23 =	simm.s32 $0xB880  }
0xc9: {  	[tilespmem:s23], [sflag:$0x1] =	stream.indirect_vreg.gather [hbm4b:s14+s5], $0x80, v6, vm0, $0xb8;
	[tilespmem:$0x14880] =	vst v63  }
0xca: {  	s24 =	simm.s32 $0xC080;
	p0 =	slt.u32 s1, $0x21  }
0xcb: {  	[tilespmem:s24], [sflag:$0x1] =	stream.indirect_vreg.gather [hbm4b:s15+s5], $0x80, v6, vm0, $0xb8;
	[tilespmem:$0x14880] =	vst v63  }
0xcc: {  	v6 =	vld @!p0 [tilespmem:s6+$0x2020];
	_ =	sdelay $0x4  }
0xcd: {  	v7 =	vshll.u32 @!p0 v6, $0x3  }
0xce: {  	v8 =	vlaneseq.u32 @!p0;
	v6 =	vand.u32 @!p0 $0x7, v6;
	v7 =	vand.u32 @!p0 $0xFFFFFFC0, v7  }
0xcf: {  	v9 =	vshrl.u32 @!p0 v8, $0x3;
	v6 =	vor.u32 @!p0 v6, v7;
	v7 =	vand.u32 @!p0 $0x7, v8  }
0xd0: {  	v9 =	vmul.u32 @!p0 $0x8, v9;
	v10 =	vperm.xlane @!p0 v6, v7;
	_ =	sdelay $0x1  }
0xd1: {  	v10 =	vadd.s32 @!p0 v9, v10;
	_ =	sdelay $0x3  }
0xd2: {  	vm1 =	vmmov @!p0 $0xffff;
	s2 =	simm.s32 @!p0 $0x0;
	s16 =	simm.s32 @!p0 $0xC880  }
0xd3: {  	v8 =	vor.u32 @!p0 $0x8, v8;
	[tilespmem:s16], [sflag:$0x2] =	stream.indirect_vreg.gather @!p0 [hbm4b:s4+s2], $0x80, v10, vm1, $0xb8;
	[tilespmem:$0x14880] =	vst v63  }
0xd4: {  	v6 =	vperm.xlane @!p0 v6, v8;
	s16 =	simm.s32 @!p0 $0xD080  }
0xd5: {  	[tilespmem:s16], [sflag:$0x2] =	stream.indirect_vreg.gather @!p0 [hbm4b:s13+s2], $0x80, v10, vm1, $0xb8;
	[tilespmem:$0x14880] =	vst v63  }
0xd6: {  	v6 =	vadd.s32 @!p0 v9, v6;
	s16 =	simm.s32 @!p0 $0xD880  }
0xd7: {  	[tilespmem:s16], [sflag:$0x2] =	stream.indirect_vreg.gather @!p0 [hbm4b:s14+s2], $0x80, v10, vm1, $0xb8;
	[tilespmem:$0x14880] =	vst v63  }
0xd8: {  	s16 =	simm.s32 @!p0 $0xE080  }
0xd9: {  	[tilespmem:s16], [sflag:$0x2] =	stream.indirect_vreg.gather @!p0 [hbm4b:s15+s2], $0x80, v10, vm1, $0xb8;
	[tilespmem:$0x14880] =	vst v63  }
0xda: {  	s16 =	simm.s32 @!p0 $0xE880  }
0xdb: {  	[tilespmem:s16], [sflag:$0x2] =	stream.indirect_vreg.gather @!p0 [hbm4b:s4+s2], $0x80, v6, vm1, $0xb8;
	[tilespmem:$0x14880] =	vst v63  }
0xdc: {  	s16 =	simm.s32 @!p0 $0xF080  }
0xdd: {  	[tilespmem:s16], [sflag:$0x2] =	stream.indirect_vreg.gather @!p0 [hbm4b:s13+s2], $0x80, v6, vm1, $0xb8;
	[tilespmem:$0x14880] =	vst v63  }
0xde: {  	s16 =	simm.s32 @!p0 $0xF880  }
0xdf: {  	[tilespmem:s16], [sflag:$0x2] =	stream.indirect_vreg.gather @!p0 [hbm4b:s14+s2], $0x80, v6, vm1, $0xb8;
	[tilespmem:$0x14880] =	vst v63  }
0xe0: {  	s16 =	simm.s32 @!p0 $0x10080  }
0xe1: {  	[tilespmem:s16], [sflag:$0x2] =	stream.indirect_vreg.gather @!p0 [hbm4b:s15+s2], $0x80, v6, vm1, $0xb8;
	[tilespmem:$0x14880] =	vst v63  }
0xe2: {  	v6 =	vld @!p0 [tilespmem:s6+$0x2030];
	_ =	sdelay $0x4  }
0xe3: {  	v10 =	vshll.u32 @!p0 v6, $0x3  }
0xe4: {  	v6 =	vand.u32 @!p0 $0x7, v6;
	v10 =	vand.u32 @!p0 $0xFFFFFFC0, v10  }
0xe5: {  	v6 =	vor.u32 @!p0 v6, v10  }
0xe6: {  	v7 =	vperm.xlane @!p0 v6, v7;
	_ =	sdelay $0x1  }
0xe7: {  	v7 =	vadd.s32 @!p0 v9, v7;
	_ =	sdelay $0x3  }
0xe8: {  	s16 =	simm.s32 @!p0 $0x10880  }
0xe9: {  	[tilespmem:s16], [sflag:$0x2] =	stream.indirect_vreg.gather @!p0 [hbm4b:s4+s2], $0x80, v7, vm1, $0xb8;
	[tilespmem:$0x14880] =	vst v63  }
0xea: {  	v6 =	vperm.xlane @!p0 v6, v8;
	s16 =	simm.s32 @!p0 $0x11080  }
0xeb: {  	[tilespmem:s16], [sflag:$0x2] =	stream.indirect_vreg.gather @!p0 [hbm4b:s13+s2], $0x80, v7, vm1, $0xb8;
	[tilespmem:$0x14880] =	vst v63  }
0xec: {  	v6 =	vadd.s32 @!p0 v9, v6;
	s16 =	simm.s32 @!p0 $0x11880  }
0xed: {  	[tilespmem:s16], [sflag:$0x2] =	stream.indirect_vreg.gather @!p0 [hbm4b:s14+s2], $0x80, v7, vm1, $0xb8;
	[tilespmem:$0x14880] =	vst v63  }
0xee: {  	s16 =	simm.s32 @!p0 $0x12080  }
0xef: {  	[tilespmem:s16], [sflag:$0x2] =	stream.indirect_vreg.gather @!p0 [hbm4b:s15+s2], $0x80, v7, vm1, $0xb8;
	[tilespmem:$0x14880] =	vst v63  }
0xf0: {  	s16 =	simm.s32 @!p0 $0x12880  }
0xf1: {  	[tilespmem:s16], [sflag:$0x2] =	stream.indirect_vreg.gather @!p0 [hbm4b:s4+s2], $0x80, v6, vm1, $0xb8;
	[tilespmem:$0x14880] =	vst v63  }
0xf2: {  	s16 =	simm.s32 @!p0 $0x13080  }
0xf3: {  	[tilespmem:s16], [sflag:$0x2] =	stream.indirect_vreg.gather @!p0 [hbm4b:s13+s2], $0x80, v6, vm1, $0xb8;
	[tilespmem:$0x14880] =	vst v63  }
0xf4: {  	s16 =	simm.s32 @!p0 $0x13880  }
0xf5: {  	[tilespmem:s16], [sflag:$0x2] =	stream.indirect_vreg.gather @!p0 [hbm4b:s14+s2], $0x80, v6, vm1, $0xb8;
	[tilespmem:$0x14880] =	vst v63  }
0xf6: {  	s16 =	simm.s32 @!p0 $0x14080  }
0xf7: {  	[tilespmem:s16], [sflag:$0x2] =	stream.indirect_vreg.gather @!p0 [hbm4b:s15+s2], $0x80, v6, vm1, $0xb8;
	[tilespmem:$0x14880] =	vst v63  }
0xf8: {  	s16 =	simm.s32 $0x1  }
0xf9: {  	s18 =	simm.s32 $0x9080;
	_ =	swait.ge [sflag:s16], $0x8000  }
0xfa: {  	p1 =	slt.u32 s1, $0x41;
	s3 =	simm.s32 $0x4880;
	[sflag:s16] =	ssyncset.done $0x0  }
.Ltmp4:
0xfb: {  	s26 =	rddreg [dreg:$0x5];
	[sflag:s16] =	ssyncadd.s32 $0xFFFF8000;
	(pc) =	sbr.rel @p1 .LBB2_6-.Ltmp4, $4  }
0xfc: {  	[hbm4b:s26+s5] =	stream.linear.scatter [tilespmem:s3], [sflag:$0x3], $0x8000, $0x38;
	[tilespmem:$0x14880] =	vst v63  }
0xfd: {  	s9 =	simm.s32 $0x8880;
	s20 =	simm.s32 $0x8080;
	_ =	swait.ge [sflag:s30], $0x8000  }
0xfe: {  	s7 =	simm.s32 $0x6080;
	s11 =	simm.s32 $0x6880;
	[sflag:s30] =	ssyncset.done $0x0  }
0xff: {  	s12 =	simm.s32 $0x7080;
	s21 =	simm.s32 $0x7880;
	[sflag:s30] =	ssyncadd.s32 $0xFFFF8000  }
0x100: {  	v6 =	vld [tilespmem:s6+$0x2040];
	_ =	sdelay $0x4  }
0x101: {  	v7 =	vshll.u32 v6, $0x3  }
0x102: {  	v6 =	vand.u32 $0x7, v6;
	v7 =	vand.u32 $0xFFFFFFC0, v7  }
0x103: {  	v6 =	vor.u32 v6, v7  }
0x104: {  	v7 =	vperm.xlane v6, v3;
	_ =	sdelay $0x1  }
0x105: {  	v7 =	vadd.s32 v4, v7;
	_ =	sdelay $0x4  }
0x106: {  	[tilespmem:s3], [sflag:$0x1] =	stream.indirect_vreg.gather [hbm4b:s4+s5], $0x80, v7, vm0, $0xb8;
	[tilespmem:$0x14880] =	vst v63  }
0x107: {  	v6 =	vperm.xlane v6, v5  }
0x108: {  	[tilespmem:s25], [sflag:$0x1] =	stream.indirect_vreg.gather [hbm4b:s13+s5], $0x80, v7, vm0, $0xb8;
	[tilespmem:$0x14880] =	vst v63  }
0x109: {  	v6 =	vadd.s32 v4, v6  }
0x10a: {  	[tilespmem:s22], [sflag:$0x1] =	stream.indirect_vreg.gather [hbm4b:s14+s5], $0x80, v7, vm0, $0xb8;
	[tilespmem:$0x14880] =	vst v63  }
0x10b: {  	_ = 	snop  }
0x10c: {  	[tilespmem:s7], [sflag:$0x1] =	stream.indirect_vreg.gather [hbm4b:s15+s5], $0x80, v7, vm0, $0xb8;
	[tilespmem:$0x14880] =	vst v63  }
0x10d: {  	_ = 	snop  }
0x10e: {  	[tilespmem:s11], [sflag:$0x1] =	stream.indirect_vreg.gather [hbm4b:s4+s5], $0x80, v6, vm0, $0xb8;
	[tilespmem:$0x14880] =	vst v63  }
0x10f: {  	_ = 	snop  }
0x110: {  	[tilespmem:s12], [sflag:$0x1] =	stream.indirect_vreg.gather [hbm4b:s13+s5], $0x80, v6, vm0, $0xb8;
	[tilespmem:$0x14880] =	vst v63  }
0x111: {  	_ = 	snop  }
0x112: {  	[tilespmem:s21], [sflag:$0x1] =	stream.indirect_vreg.gather [hbm4b:s14+s5], $0x80, v6, vm0, $0xb8;
	[tilespmem:$0x14880] =	vst v63  }
0x113: {  	_ = 	snop  }
0x114: {  	[tilespmem:s20], [sflag:$0x1] =	stream.indirect_vreg.gather [hbm4b:s15+s5], $0x80, v6, vm0, $0xb8;
	[tilespmem:$0x14880] =	vst v63  }
0x115: {  	v6 =	vld [tilespmem:s6+$0x2050];
	_ =	sdelay $0x4  }
0x116: {  	v7 =	vshll.u32 v6, $0x3  }
0x117: {  	v6 =	vand.u32 $0x7, v6;
	v7 =	vand.u32 $0xFFFFFFC0, v7  }
0x118: {  	v6 =	vor.u32 v6, v7  }
0x119: {  	v7 =	vperm.xlane v6, v3;
	_ =	sdelay $0x1  }
0x11a: {  	v7 =	vadd.s32 v4, v7;
	_ =	sdelay $0x4  }
0x11b: {  	[tilespmem:s9], [sflag:$0x1] =	stream.indirect_vreg.gather [hbm4b:s4+s5], $0x80, v7, vm0, $0xb8;
	[tilespmem:$0x14880] =	vst v63  }
0x11c: {  	v6 =	vperm.xlane v6, v5  }
0x11d: {  	[tilespmem:s18], [sflag:$0x1] =	stream.indirect_vreg.gather [hbm4b:s13+s5], $0x80, v7, vm0, $0xb8;
	[tilespmem:$0x14880] =	vst v63  }
0x11e: {  	s2 =	simm.s32 $0x9880;
	v6 =	vadd.s32 v4, v6  }
0x11f: {  	[tilespmem:s2], [sflag:$0x1] =	stream.indirect_vreg.gather [hbm4b:s14+s5], $0x80, v7, vm0, $0xb8;
	[tilespmem:$0x14880] =	vst v63  }
0x120: {  	s26 =	simm.s32 $0x5080;
	s16 =	simm.s32 $0x6080;
	s3 =	simm.s32 $0x8880  }
0x121: {  	[tilespmem:s31], [sflag:$0x1] =	stream.indirect_vreg.gather [hbm4b:s15+s5], $0x80, v7, vm0, $0xb8;
	[tilespmem:$0x14880] =	vst v63  }
0x122: {  	s25 =	simm.s32 $0x5880;
	s22 =	simm.s32 $0xB080;
	s7 =	simm.s32 $0x6880  }
0x123: {  	[tilespmem:s8], [sflag:$0x1] =	stream.indirect_vreg.gather [hbm4b:s4+s5], $0x80, v6, vm0, $0xb8;
	[tilespmem:$0x14880] =	vst v63  }
0x124: {  	s11 =	simm.s32 $0x7080;
	s12 =	simm.s32 $0x7880;
	s21 =	simm.s32 $0x8080  }
0x125: {  	[tilespmem:s10], [sflag:$0x1] =	stream.indirect_vreg.gather [hbm4b:s13+s5], $0x80, v6, vm0, $0xb8;
	[tilespmem:$0x14880] =	vst v63  }
.Ltmp5:
0x126: {  	s20 =	simm.s32 $0x4880;
	s9 =	simm.s32 $0xA880;
	(pc) =	sbr.rel .LBB2_7-.Ltmp5, $4  }
0x127: {  	[tilespmem:s23], [sflag:$0x1] =	stream.indirect_vreg.gather [hbm4b:s14+s5], $0x80, v6, vm0, $0xb8;
	[tilespmem:$0x14880] =	vst v63  }
0x128: {  	s18 =	simm.s32 $0xA080;
	s31 =	simm.s32 $0x9880;
	s8 =	simm.s32 $0x9080  }
0x129: {  	[tilespmem:s24], [sflag:$0x1] =	stream.indirect_vreg.gather [hbm4b:s15+s5], $0x80, v6, vm0, $0xb8;
	[tilespmem:$0x14880] =	vst v63  }
0x12a: {  	s10 =	simm.s32 $0xB880;
	s23 =	simm.s32 $0xC080;
	s24 =	simm.s32 $0xC880  }
.LBB2_6:
0x12b: {  	s26 =	simm.s32 $0x5080;
	s25 =	simm.s32 $0x5880;
	s22 =	simm.s32 $0xB080  }
.Ltmp6:
0x12c: {  	s9 =	simm.s32 $0xA880;
	s18 =	simm.s32 $0xA080;
	(pc) =	sbr.rel @p0 .LBB2_14-.Ltmp6, $4  }
0x12d: {  	s16 =	simm.s32 $0x6080;
	s7 =	simm.s32 $0x6880;
	s11 =	simm.s32 $0x7080  }
0x12e: {  	s12 =	simm.s32 $0x7880;
	s21 =	simm.s32 $0x8080;
	s20 =	simm.s32 $0x4880  }
0x12f: {  	s3 =	simm.s32 $0x8880;
	s8 =	simm.s32 $0x9080;
	s31 =	simm.s32 $0x9880  }
0x130: {  	s10 =	simm.s32 $0xB880;
	s23 =	simm.s32 $0xC080;
	s24 =	simm.s32 $0xC880  }
.LBB2_7:
0x131: {  	s2 =	simm.s32 $0x2  }
0x132: {  	_ =	swait.ge [sflag:s2], $0x8000  }
0x133: {  	p2 =	slt.u32 s1, $0x61;
	[sflag:s2] =	ssyncset.done $0x0  }
.Ltmp7:
0x134: {  	[sflag:s2] =	ssyncadd.s32 $0xFFFF8000;
	s2 =	rddreg [dreg:$0x6];
	(pc) =	sbr.rel @p2 .LBB2_9-.Ltmp7, $4  }
0x135: {  	[hbm4b:s2+s5] =	stream.linear.scatter [tilespmem:s24], [sflag:$0x3], $0x8000, $0x38;
	[tilespmem:$0x14880] =	vst v63  }
0x136: {  	_ =	swait.ge [sflag:s30], $0x8000  }
0x137: {  	[sflag:s30] =	ssyncset.done $0x0  }
0x138: {  	[sflag:s30] =	ssyncadd.s32 $0xFFFF8000  }
0x139: {  	v6 =	vld [tilespmem:s6+$0x2060];
	_ =	sdelay $0x4  }
0x13a: {  	v7 =	vshll.u32 v6, $0x3  }
0x13b: {  	v6 =	vand.u32 $0x7, v6;
	v7 =	vand.u32 $0xFFFFFFC0, v7  }
0x13c: {  	v6 =	vor.u32 v6, v7  }
0x13d: {  	v7 =	vperm.xlane v6, v3;
	_ =	sdelay $0x1  }
0x13e: {  	v7 =	vadd.s32 v4, v7;
	_ =	sdelay $0x4  }
0x13f: {  	[tilespmem:s24], [sflag:$0x2] =	stream.indirect_vreg.gather [hbm4b:s4+s5], $0x80, v7, vm0, $0xb8;
	[tilespmem:$0x14880] =	vst v63  }
0x140: {  	s2 =	simm.s32 $0xD080;
	v6 =	vperm.xlane v6, v5  }
0x141: {  	[tilespmem:s2], [sflag:$0x2] =	stream.indirect_vreg.gather [hbm4b:s13+s5], $0x80, v7, vm0, $0xb8;
	[tilespmem:$0x14880] =	vst v63  }
0x142: {  	v6 =	vadd.s32 v4, v6;
	s2 =	simm.s32 $0xD880  }
0x143: {  	[tilespmem:s2], [sflag:$0x2] =	stream.indirect_vreg.gather [hbm4b:s14+s5], $0x80, v7, vm0, $0xb8;
	[tilespmem:$0x14880] =	vst v63  }
0x144: {  	s2 =	simm.s32 $0xE080  }
0x145: {  	[tilespmem:s2], [sflag:$0x2] =	stream.indirect_vreg.gather [hbm4b:s15+s5], $0x80, v7, vm0, $0xb8;
	[tilespmem:$0x14880] =	vst v63  }
0x146: {  	s2 =	simm.s32 $0xE880  }
0x147: {  	[tilespmem:s2], [sflag:$0x2] =	stream.indirect_vreg.gather [hbm4b:s4+s5], $0x80, v6, vm0, $0xb8;
	[tilespmem:$0x14880] =	vst v63  }
0x148: {  	s2 =	simm.s32 $0xF080  }
0x149: {  	[tilespmem:s2], [sflag:$0x2] =	stream.indirect_vreg.gather [hbm4b:s13+s5], $0x80, v6, vm0, $0xb8;
	[tilespmem:$0x14880] =	vst v63  }
0x14a: {  	s2 =	simm.s32 $0xF880  }
0x14b: {  	[tilespmem:s2], [sflag:$0x2] =	stream.indirect_vreg.gather [hbm4b:s14+s5], $0x80, v6, vm0, $0xb8;
	[tilespmem:$0x14880] =	vst v63  }
0x14c: {  	s2 =	simm.s32 $0x10080  }
0x14d: {  	[tilespmem:s2], [sflag:$0x2] =	stream.indirect_vreg.gather [hbm4b:s15+s5], $0x80, v6, vm0, $0xb8;
	[tilespmem:$0x14880] =	vst v63  }
0x14e: {  	v6 =	vld [tilespmem:s6+$0x2070];
	_ =	sdelay $0x4  }
0x14f: {  	v7 =	vshll.u32 v6, $0x3  }
0x150: {  	v6 =	vand.u32 $0x7, v6;
	v7 =	vand.u32 $0xFFFFFFC0, v7  }
0x151: {  	v6 =	vor.u32 v6, v7  }
0x152: {  	v7 =	vperm.xlane v6, v3;
	_ =	sdelay $0x1  }
0x153: {  	v7 =	vadd.s32 v4, v7;
	_ =	sdelay $0x3  }
0x154: {  	s2 =	simm.s32 $0x10880  }
0x155: {  	[tilespmem:s2], [sflag:$0x2] =	stream.indirect_vreg.gather [hbm4b:s4+s5], $0x80, v7, vm0, $0xb8;
	[tilespmem:$0x14880] =	vst v63  }
0x156: {  	v6 =	vperm.xlane v6, v5;
	s2 =	simm.s32 $0x11080  }
0x157: {  	[tilespmem:s2], [sflag:$0x2] =	stream.indirect_vreg.gather [hbm4b:s13+s5], $0x80, v7, vm0, $0xb8;
	[tilespmem:$0x14880] =	vst v63  }
0x158: {  	v6 =	vadd.s32 v4, v6;
	s2 =	simm.s32 $0x11880  }
0x159: {  	[tilespmem:s2], [sflag:$0x2] =	stream.indirect_vreg.gather [hbm4b:s14+s5], $0x80, v7, vm0, $0xb8;
	[tilespmem:$0x14880] =	vst v63  }
0x15a: {  	s2 =	simm.s32 $0x12080  }
0x15b: {  	[tilespmem:s2], [sflag:$0x2] =	stream.indirect_vreg.gather [hbm4b:s15+s5], $0x80, v7, vm0, $0xb8;
	[tilespmem:$0x14880] =	vst v63  }
0x15c: {  	s2 =	simm.s32 $0x12880  }
0x15d: {  	[tilespmem:s2], [sflag:$0x2] =	stream.indirect_vreg.gather [hbm4b:s4+s5], $0x80, v6, vm0, $0xb8;
	[tilespmem:$0x14880] =	vst v63  }
0x15e: {  	s2 =	simm.s32 $0x13080  }
0x15f: {  	[tilespmem:s2], [sflag:$0x2] =	stream.indirect_vreg.gather [hbm4b:s13+s5], $0x80, v6, vm0, $0xb8;
	[tilespmem:$0x14880] =	vst v63  }
.Ltmp8:
0x160: {  	_ = 	snop;
	(pc) =	sbr.rel .LBB2_10-.Ltmp8, $4  }
0x161: {  	s2 =	simm.s32 $0x13880  }
0x162: {  	[tilespmem:s2], [sflag:$0x2] =	stream.indirect_vreg.gather [hbm4b:s14+s5], $0x80, v6, vm0, $0xb8;
	[tilespmem:$0x14880] =	vst v63  }
0x163: {  	s2 =	simm.s32 $0x14080  }
0x164: {  	[tilespmem:s2], [sflag:$0x2] =	stream.indirect_vreg.gather [hbm4b:s15+s5], $0x80, v6, vm0, $0xb8;
	[tilespmem:$0x14880] =	vst v63  }
.LBB2_9:
.Ltmp9:
0x165: {  	(pc) =	sbr.rel @p1 .LBB2_14-.Ltmp9, $1  }
0x166: {  	_ =	sdelay $0x3  }
.LBB2_10:
0x167: {  	s2 =	simm.s32 $0x1  }
0x168: {  	_ =	swait.ge [sflag:s2], $0x8000  }
0x169: {  	p0 =	slt.u32 s1, $0x81;
	[sflag:s2] =	ssyncset.done $0x0  }
.Ltmp10:
0x16a: {  	[sflag:s2] =	ssyncadd.s32 $0xFFFF8000;
	s2 =	rddreg [dreg:$0x7];
	(pc) =	sbr.rel @!p0 .LBB2_11-.Ltmp10, $4  }
0x16b: {  	[hbm4b:s2+s5] =	stream.linear.scatter [tilespmem:s20], [sflag:$0x3], $0x8000, $0x38;
	[tilespmem:$0x14880] =	vst v63  }
0x16c: {  	_ =	swait.ge [sflag:s30], $0x8000  }
0x16d: {  	[sflag:s30] =	ssyncset.done $0x0  }
0x16e: {  	[sflag:s30] =	ssyncadd.s32 $0xFFFF8000  }
.Ltmp11:
0x16f: {  	(pc) =	sbr.rel @p2 .LBB2_14-.Ltmp11, $4  }
.Ltmp12:
0x170: {  	(pc) =	sbr.rel @!p2 .LBB2_13-.Ltmp12, $4  }
0x171: {  	_ = 	snop  }
0x172: {  	_ = 	snop  }
0x173: {  	_ = 	snop  }
0x174: {  	_ = 	snop  }
.LBB2_15:
0x175: {  	_ =	sfence.sel $0x180000  }
0x176: {  	[bflag:$0x0] =	sbarrier.arrive $0xFFFF  }
0x177: {  	_ =	strace $0x90000047  }
0x178: {  	s0 =	stileid.u32;
	[bflag:$0x2] =	sbarrier.arrive $0xFFFF  }
0x179: {  	p0 =	sne.s32 s0, $0x0;
	s0 =	rddreg [dreg:$0x3]  }
0x17a: {  	s0 =	sadd.s32 @!p0 $0x100000, s0  }
0x17b: {  	[sflag:s0] =	ssyncadd.tile.s32 @!p0 $0x1;
	_ =	shalt  }
.Lfunc_end2:
_tile_overlayer_lowered:
.L_overlay_start_2:
0x17c: {  	(tag) =	ssettag $0x2  }
0x17d: {  	s0 =	rddreg [dreg:$0x0];
	s2 =	stileid.u32  }
0x17e: {  	s1 =	rddreg [dreg:$0x1];
	p0 =	sne.s32 s2, $0x0  }
0x17f: {  	s3 =	rddreg [dreg:$0x2];
	[bflag:$0x3] =	sbarrier.arrive $0xFFFF;
	s2 =	simm.s32 @!p0 $0x1C03  }
0x180: {  	[timem:s3], [sflag:s2] =	dma.local @!p0 [hbm:s0], s1  }
0x181: {  	s0 =	simm.s32 @!p0 $0x3  }
0x182: {  	_ =	swait.ge @!p0 [sflag:s0], s1  }
0x183: {  	s1 =	ssub.s32 @!p0 $0x0, s1;
	[sflag:s0] =	ssyncset.done @!p0 $0x0  }
0x184: {  	[sflag:s0] =	ssyncadd.s32 @!p0 s1  }
0x185: {  	[bflag:$0x3] =	sbarrier.arrive $0xFFFF  }
0x186: {  	_ =	shalt  }

// kernel: kernel.9.cloned.1.call-start
scs
__scs_entry_jumppad:
0x0: {  	(pc) =	sbr.rel $0x88, $3  }
0x1: {  	(tag) =	ssettag $0x0;
	lr =	simm.s32 $0x1  }
0x2: {  	[smem:$0x3F9C] =	sst lr;
	_ =	strace $0xD0000000  }
0x3: {  	_ = 	snop  }
0x4: {  	_ = 	snop  }
0x5: {  	_ = 	snop  }
0x6: {  	_ = 	snop  }
0x7: {  	_ = 	snop  }
__scs_overlays_trampoline_lowered:
0x8: {  	[smem:$0x3FAB] =	sst s0  }
0x9: {  	[smem:$0x3FAC] =	sst s1  }
0xa: {  	[smem:$0x3FAD] =	sst s2  }
0xb: {  	[smem:$0x3FAE] =	sst s3  }
0xc: {  	[smem:$0x3FAF] =	sst s4  }
0xd: {  	[smem:$0x3FB0] =	sst s5  }
0xe: {  	[smem:$0x3FB1] =	sst s6  }
0xf: {  	[smem:$0x3FB2] =	sst s7  }
0x10: {  	[smem:$0x3FB3] =	sst s8  }
0x11: {  	[smem:$0x3FB4] =	sst s9;
	s0 =	simm.s32 @!p0 $0x0  }
0x12: {  	s1 =	sld [smem:$0x3F9A];
	s0 =	simm.s32 @p0 $0x1  }
0x13: {  	[smem:$0x3FB5] =	sst s0;
	s0 =	simm.s32 @!p1 $0x0  }
0x14: {  	s2 =	sld [smem:$0x3F99];
	s0 =	simm.s32 @p1 $0x1  }
0x15: {  	[smem:$0x3FB6] =	sst s0;
	s0 =	simm.s32 @!p2 $0x0  }
0x16: {  	s3 =	sld [smem:$0x3FDB];
	s0 =	simm.s32 @p2 $0x1  }
0x17: {  	s4 =	simm.s32 $0x1BF5;
	[smem:$0x3FB8] =	sst s0  }
0x18: {  	s0 =	sld [smem:$0x3F9B];
	_ =	swait.ge [sflag:s4], $0x0  }
0x19: {  	s7 =	sld [smem:$0x3F9C]  }
0x1a: {  	s8 =	sadd.s32 $0xFFFFE003, lr  }
0x1b: {  	s9 =	sadd.s32 $0xFFFFFEF7, lr;
	s5 =	simm.s32 $0xFFFFFFFF;
	p2 =	slt.u32 s8, $0xFFFFF086  }
0x1c: {  	p1 =	slt.u32 s9, $0xF7A;
	s5 =	simm.s32 @!p2 $0x0  }
0x1d: {  	s5 =	simm.s32 @p1 $0x1;
	p0 =	seq.s32 s7, s2  }
0x1e: {  	s7 =	smul.u32 @!p0 $0xF7A, s2;
	p2 =	seq.s32 @!p0 s5, $0x0  }
0x1f: {  	s9 =	smul.u32 $0xF7A, s1;
	s8 =	simm.s32 @!p0 $0x1BF5;
	p2 =	por !p2, p0  }
0x20: {  	[sflag:s8] =	ssyncset.s32 @!p0 $0xFFFFF086;
	s6 =	sadd.s32 @!p0 s3, s7;
	s7 =	simm.s32 @!p0 $0x108  }
0x21: {  	s3 =	sadd.s32 s3, s9;
	s6 =	sadd.s32 @!p0 $0x88, s6;
	s7 =	simm.s32 @p2 $0x1082  }
0x22: {  	[simem:s7], [sflag:s8] =	dma.local @!p0 [hbm:s6], $0xF7A  }
0x23: {  	s9 =	sor.u32 $0xD0000000, s2;
	s6 =	simm.s32 $0x108;
	_ =	swait.ge @!p0 [sflag:s8], $0x0  }
0x24: {  	s3 =	sadd.s32 $0x88, s3;
	s6 =	simm.s32 @!p1 $0x1082;
	[sflag:s4] =	ssyncset.s32 $0xFFFFF086  }
0x25: {  	[simem:s6], [sflag:s4] =	dma.local [hbm:s3], $0xF7A  }
0x26: {  	[smem:$0x3F9C] =	sst s1;
	(tag) =	ssettag s2;
	_ =	strace s9  }
0x27: {  	s1 =	sld [smem:$0x3FAC]  }
0x28: {  	s2 =	sld [smem:$0x3FAD]  }
0x29: {  	s4 =	sld [smem:$0x3FAF]  }
0x2a: {  	p0 =	seq.s32 s5, $0x0;
	s5 =	sld [smem:$0x3FB0]  }
0x2b: {  	s6 =	sld [smem:$0x3FB1]  }
0x2c: {  	s7 =	sld [smem:$0x3FB2]  }
0x2d: {  	s3 =	simm.s32 $0x108;
	s8 =	sld [smem:$0x3FB3]  }
0x2e: {  	s3 =	simm.s32 @!p0 $0x1082;
	s9 =	sld [smem:$0x3FB4]  }
0x2f: {  	lr =	sadd.s32 s0, s3;
	s0 =	sld [smem:$0x3FAB]  }
0x30: {  	s3 =	sld [smem:$0x3FAE]  }
0x31: {  	[smem:$0x3FB7] =	sst s10  }
0x32: {  	s10 =	sld [smem:$0x3FB5];
	_ =	sdelay $0x3  }
0x33: {  	p0 =	seq.s32 s10, $0x1;
	s10 =	sld [smem:$0x3FB7];
	_ =	sdelay $0x3  }
0x34: {  	[smem:$0x3FB7] =	sst s10  }
0x35: {  	s10 =	sld [smem:$0x3FB6];
	_ =	sdelay $0x3  }
0x36: {  	p1 =	seq.s32 s10, $0x1;
	s10 =	sld [smem:$0x3FB7];
	_ =	sdelay $0x3  }
0x37: {  	[smem:$0x3FB7] =	sst s10  }
0x38: {  	s10 =	sld [smem:$0x3FB8]  }
0x39: {  	_ = 	snop;
	(pc) =	sbr.ind lr, $3  }
0x3a: {  	_ = 	snop  }
0x3b: {  	_ = 	snop  }
0x3c: {  	p2 =	seq.s32 s10, $0x1;
	s10 =	sld [smem:$0x3FB7]  }
0x3d: {  	_ =	shalt  }
0x3e: {  	_ =	shalt  }
0x3f: {  	_ =	shalt  }
0x40: {  	_ =	shalt  }
0x41: {  	_ =	shalt  }
0x42: {  	_ =	shalt  }
0x43: {  	_ =	shalt  }
0x44: {  	_ =	shalt  }
0x45: {  	_ =	shalt  }
0x46: {  	_ =	shalt  }
0x47: {  	_ =	shalt  }
0x48: {  	_ =	shalt  }
0x49: {  	_ =	shalt  }
0x4a: {  	_ =	shalt  }
0x4b: {  	_ =	shalt  }
0x4c: {  	_ =	shalt  }
0x4d: {  	_ =	shalt  }
0x4e: {  	_ =	shalt  }
0x4f: {  	_ =	shalt  }
0x50: {  	_ =	shalt  }
0x51: {  	_ =	shalt  }
0x52: {  	_ =	shalt  }
0x53: {  	_ =	shalt  }
0x54: {  	_ =	shalt  }
0x55: {  	_ =	shalt  }
0x56: {  	_ =	shalt  }
0x57: {  	_ =	shalt  }
0x58: {  	_ =	shalt  }
0x59: {  	_ =	shalt  }
0x5a: {  	_ =	shalt  }
0x5b: {  	_ =	shalt  }
0x5c: {  	_ =	shalt  }
0x5d: {  	_ =	shalt  }
0x5e: {  	_ =	shalt  }
0x5f: {  	_ =	shalt  }
0x60: {  	_ =	shalt  }
0x61: {  	_ =	shalt  }
0x62: {  	_ =	shalt  }
0x63: {  	_ =	shalt  }
0x64: {  	_ =	shalt  }
0x65: {  	_ =	shalt  }
0x66: {  	_ =	shalt  }
0x67: {  	_ =	shalt  }
0x68: {  	_ =	shalt  }
0x69: {  	_ =	shalt  }
0x6a: {  	_ =	shalt  }
0x6b: {  	_ =	shalt  }
0x6c: {  	_ =	shalt  }
0x6d: {  	_ =	shalt  }
0x6e: {  	_ =	shalt  }
0x6f: {  	_ =	shalt  }
0x70: {  	_ =	shalt  }
0x71: {  	_ =	shalt  }
0x72: {  	_ =	shalt  }
0x73: {  	_ =	shalt  }
0x74: {  	_ =	shalt  }
0x75: {  	_ =	shalt  }
0x76: {  	_ =	shalt  }
0x77: {  	_ =	shalt  }
0x78: {  	_ =	shalt  }
0x79: {  	_ =	shalt  }
0x7a: {  	_ =	shalt  }
0x7b: {  	_ =	shalt  }
0x7c: {  	_ =	shalt  }
0x7d: {  	_ =	shalt  }
0x7e: {  	_ =	shalt  }
0x7f: {  	_ =	shalt  }
0x80: {  	_ =	shalt  }
0x81: {  	_ =	shalt  }
0x82: {  	_ =	shalt  }
0x83: {  	_ =	shalt  }
0x84: {  	_ =	shalt  }
0x85: {  	_ =	shalt  }
0x86: {  	_ =	shalt  }
0x87: {  	_ =	shalt  }
.Lfunc_end0:
.L_simem_size_0:
called_computation.1_lowered:
.L_overlay_start_0:
0x88: {  	s2 =	sld [smem:$0x3FD9]  }
0x89: {  	s3 =	sld [smem:$0x3FFE];
	_ =	sdelay $0x1  }
0x8a: {  	s1 =	srdreg.scid  }
0x8b: {  	s0 =	sand.u32 $0x1, s1  }
0x8c: {  	s17 =	sshll.u32 s0, $0xA;
	s2 =	sadd.s32 s3, s2  }
0x8d: {  	s2 =	sadd.s32 s2, s17  }
0x8e: {  	[smem:$0x3FC3] =	sst s2  }
0x8f: {  	_ = 	snop  }
0x90: {  	s2 =	sld [smem:$0x3FD0];
	(tm) =	ssettm $0x1  }
0x91: {  	s18 =	sld [smem:$0x3FFB];
	_ =	sdelay $0x3  }
0x92: {  	_ =	strace s18  }
0x93: {  	s3 =	sld [smem:$0x3FFC];
	_ =	sdelay $0x3  }
0x94: {  	_ =	strace s3  }
0x95: {  	s3 =	sld [smem:$0x3FFD];
	_ =	sdelay $0x3  }
0x96: {  	_ =	strace s3  }
0x97: {  	_ =	strace $0x8FFFFFFF  }
0x98: {  	s19 =	sld [smem:$0x3FDB];
	_ =	sdelay $0x1  }
0x99: {  	s4 =	simm.s32 $_scs_section_size  }
0x9a: {  	s5 =	simm.s32 $_size__tile_overlayer_lowered;
	s6 =	simm.s32 $_tile_overlayer_lowered  }
0x9b: {  	s22 =	simm.s32 $0x1BFF;
	s21 =	sshll.u32 s6, $0x1;
	s3 =	sadd.s32 s4, s19  }
0x9c: {  	s7 =	simm.s32 $0x0;
	s20 =	sshll.u32 s5, $0x1;
	s5 =	sadd.s32 s21, s3  }
0x9d: {  	[timem:s7], [sflag:s22] =	dma.local [hbm:s5], s20  }
0x9e: {  	_ =	swait.ge [sflag:s22], s20  }
0x9f: {  	s4 =	ssub.s32 $0x0, s20;
	[sflag:s22] =	ssyncset.done $0x0  }
0xa0: {  	[sflag:s22] =	ssyncadd.s32 s4;
	_ =	sdelay $0x1  }
0xa1: {  	s23 =	simm.s32 $0x1B8B  }
0xa2: {  	_ =	swait.ge [sflag:s23], $0x1  }
0xa3: {  	[sflag:s23] =	ssyncset.done $0x0  }
0xa4: {  	s25 =	simm.s32 $0x1B8E;
	s24 =	sld [smem:$0x3FFE];
	[sflag:s23] =	ssyncadd.s32 $0xFFFFFFFF  }
0xa5: {  	s26 =	simm.s32 $execute0_lowered;
	[smem:$0x3FD2] =	sst s25  }
0xa6: {  	s5 =	sshll.u32 s26, $0x1;
	_ =	strace $0x80000049;
	[dreg:$0x1] =	wrdreg $0xFFFFFFFF  }
0xa7: {  	s28 =	simm.s32 $_size_execute0_lowered;
	s3 =	sadd.s32 s3, s5;
	[dreg:$0x0] =	wrdreg $0x0  }
0xa8: {  	s5 =	sshll.u32 s28, $0x1;
	[dreg:$0x2] =	wrdreg s3  }
0xa9: {  	[dreg:$0x3] =	wrdreg s5  }
0xaa: {  	[dreg:$0x4] =	wrdreg $0xC0  }
0xab: {  	_ =	task [dreg:s7], $0x5FFFF  }
0xac: {  	[dreg:$0x1] =	wrdreg $0xFFFFFFFF  }
0xad: {  	[dreg:$0x0] =	wrdreg $0x60  }
0xae: {  	[dreg:$0x2] =	wrdreg s24  }
0xaf: {  	[dreg:$0x3] =	wrdreg s2  }
0xb0: {  	[dreg:$0x4] =	wrdreg $0x9  }
0xb1: {  	_ =	task.clear_ibuf [dreg:s7], $0x5FFFF;
	_ =	strace $0x90000049  }
0xb2: {  	s29 =	simm.s32 $0x9;
	_ =	strace $0x8000004B  }
0xb3: {  	_ =	swait.ge [sflag:s29], $0x1  }
0xb4: {  	[sflag:s29] =	ssyncadd.s32 $0xFFFFFFFF  }
0xb5: {  	_ =	strace $0x9000004B  }
0xb6: {  	_ =	sfence  }
0xb7: {  	s30 =	sld [smem:$0x0];
	_ =	sdelay $0x2  }
0xb8: {  	s31 =	sshll.u32 s1, $0xD;
	s1 =	sshrl.u32 s1, $0x2  }
0xb9: {  	s3 =	sand.u32 $0x4000, s31;
	s1 =	sadd.s32 s1, s30  }
0xba: {  	s0 =	sor.u32 s3, s0;
	s1 =	sshll.u32 s1, $0x11  }
0xbb: {  	s0 =	sor.u32 s1, s0  }
0xbc: {  	s0 =	sadd.s32 $0x8F2B, s0  }
0xbd: {  	[sflag:s0] =	ssyncadd.remote.s32 $0x1  }
0xbe: {  	_ =	sfence.sel $0xFFFF  }
0xbf: {  	[dreg:$0x0] =	wrdreg $0xFFFFFFFF;
	(pc) =	sbr.abs _section_cstart, $3  }
0xc0: {  	[dreg:$0x1] =	wrdreg $0xFFFFFFFF  }
0xc1: {  	_ =	task.clear_ibuf [dreg:s7], $0x2FFFF;
	_ =	strace $0x9FFFFFFF  }
0xc2: {  	(tm) =	ssettm $0x7FFFFFFF  }
0xc3: {  	_ =	shalt  }
tec
execute0_lowered:
.L_overlay_start_1:
0x0: {  	(tag) =	ssettag $0x1  }
0x1: {  	s4 =	rddreg [dreg:$0x0];
	s1 =	simm.s32 $0x0;
	s0 =	srdreg.scid  }
0x2: {  	s3 =	stileid.u32;
	s12 =	simm.s32 $0x3;
	s14 =	simm.s32 $0x100  }
0x3: {  	s13 =	simm.s32 $0xB900;
	s15 =	simm.s32 $0xC100;
	s16 =	simm.s32 $0xC900  }
0x4: {  	s17 =	simm.s32 $0xD100;
	s18 =	simm.s32 $0xD900;
	s19 =	simm.s32 $0xE100  }
0x5: {  	s20 =	simm.s32 $0xE900;
	s21 =	simm.s32 $0xF100;
	s22 =	simm.s32 $0xF900  }
0x6: {  	s23 =	simm.s32 $0x1;
	s24 =	simm.s32 $0x2;
	s26 =	simm.s32 $0x0  }
0x7: {  	[smem:$0x7FF] =	sst s1;
	s0 =	sand.u32 $0x1, s0;
	s3 =	sshll.u32 s3, $0x7  }
0x8: {  	s5 =	sadd.s32 $0xA0C00, s4;
	s7 =	sadd.s32 $0x100, s4;
	s30 =	ssub.s32 $0x2, s0  }
0x9: {  	s8 =	sadd.s32 $0xA0D00, s4;
	s9 =	sadd.s32 $0xA0E00, s4;
	s2 =	sshrl.u32 s30, $0x1  }
0xa: {  	v2 =	vlaneseq.u32;
	s10 =	sadd.s32 $0xA0F00, s4;
	s0 =	sshll.u32 s0, $0x6;
	s1 =	ssub.s32 s30, s2  }
0xb: {  	vm0 =	vmmov $0xffff;
	v1 =	vshrl.u32 v2, $0x3;
	_ =	strace $0x8000004A;
	s6 =	sor.u32 s0, s3;
	s31 =	smax.u32 s1, $0x1  }
0xc: {  	v0 =	vand.u32 $0x7, v2;
	v2 =	vor.u32 $0x8, v2;
	v1 =	vmul.u32 $0x8, v1;
	s3 =	simm.s32 $0xB100;
	s1 =	simm.s32 $0x0;
	[dreg:$0x3] =	wrdreg s31  }
.LBB2_1:
0xd: {  	[dreg:$0x4] =	wrdreg s1;
	p1 =	por $0x1, $0x1;
	s0 =	simm.s32 $0x0  }
.LBB2_2:
0xe: {  	s25 =	sor.u32 s6, s0  }
0xf: {  	s1 =	rddreg [dreg:$0x0];
	s0 =	sshrl.u32 s25, $0x3  }
0x10: {  	s4 =	sadd.s32 s1, s0  }
0x11: {  	[tilespmem:s26], [sflag:$0x3] =	stream.linear.gather [hbm4b:s4+s26], $0x20, $0x38;
	[tilespmem:$0x10100] =	vst v63  }
0x12: {  	_ =	swait.ge [sflag:s12], $0x20  }
0x13: {  	[sflag:s12] =	ssyncset.done $0x0  }
0x14: {  	s31 =	simm.s32 $0x80;
	s0 =	sadd.s32 s0, s7;
	[sflag:s12] =	ssyncadd.s32 $0xFFFFFFE0  }
0x15: {  	[tilespmem:s31], [sflag:$0x3] =	stream.linear.gather [hbm4b:s0+s26], $0x20, $0x38;
	[tilespmem:$0x10100] =	vst v63  }
0x16: {  	_ =	swait.ge [sflag:s12], $0x20  }
0x17: {  	[sflag:s12] =	ssyncset.done $0x0  }
0x18: {  	[sflag:s12] =	ssyncadd.s32 $0xFFFFFFE0  }
0x19: {  	v3 =	vld [tilespmem:$0x0];
	_ =	sdelay $0x4  }
0x1a: {  	v4 =	vshll.u32 v3, $0x3  }
0x1b: {  	v3 =	vand.u32 $0x7, v3;
	v4 =	vand.u32 $0xFFFFFFC0, v4  }
0x1c: {  	v3 =	vor.u32 v3, v4  }
0x1d: {  	v4 =	vperm.xlane v3, v0;
	_ =	sdelay $0x1  }
0x1e: {  	v4 =	vadd.s32 v1, v4;
	_ =	sdelay $0x4  }
0x1f: {  	[tilespmem:s14], [sflag:$0x1] =	stream.indirect_vreg.gather [hbm4b:s5+s26], $0x80, v4, vm0, $0xb8;
	[tilespmem:$0x10100] =	vst v63  }
0x20: {  	s1 =	simm.s32 $0x900;
	v3 =	vperm.xlane v3, v2  }
0x21: {  	[tilespmem:s1], [sflag:$0x1] =	stream.indirect_vreg.gather [hbm4b:s8+s26], $0x80, v4, vm0, $0xb8;
	[tilespmem:$0x10100] =	vst v63  }
0x22: {  	s2 =	simm.s32 $0x1100;
	v3 =	vadd.s32 v1, v3  }
0x23: {  	[tilespmem:s2], [sflag:$0x1] =	stream.indirect_vreg.gather [hbm4b:s9+s26], $0x80, v4, vm0, $0xb8;
	[tilespmem:$0x10100] =	vst v63  }
0x24: {  	s4 =	simm.s32 $0x1900  }
0x25: {  	[tilespmem:s4], [sflag:$0x1] =	stream.indirect_vreg.gather [hbm4b:s10+s26], $0x80, v4, vm0, $0xb8;
	[tilespmem:$0x10100] =	vst v63  }
0x26: {  	s11 =	simm.s32 $0x2100  }
0x27: {  	[tilespmem:s11], [sflag:$0x1] =	stream.indirect_vreg.gather [hbm4b:s5+s26], $0x80, v3, vm0, $0xb8;
	[tilespmem:$0x10100] =	vst v63  }
0x28: {  	s29 =	simm.s32 $0x2900  }
0x29: {  	[tilespmem:s29], [sflag:$0x1] =	stream.indirect_vreg.gather [hbm4b:s8+s26], $0x80, v3, vm0, $0xb8;
	[tilespmem:$0x10100] =	vst v63  }
0x2a: {  	s30 =	simm.s32 $0x3100  }
0x2b: {  	[tilespmem:s30], [sflag:$0x1] =	stream.indirect_vreg.gather [hbm4b:s9+s26], $0x80, v3, vm0, $0xb8;
	[tilespmem:$0x10100] =	vst v63  }
0x2c: {  	s31 =	simm.s32 $0x3900  }
0x2d: {  	[tilespmem:s31], [sflag:$0x1] =	stream.indirect_vreg.gather [hbm4b:s10+s26], $0x80, v3, vm0, $0xb8;
	[tilespmem:$0x10100] =	vst v63  }
0x2e: {  	v3 =	vld [tilespmem:$0x10];
	_ =	sdelay $0x4  }
0x2f: {  	v61 =	vshll.u32 v3, $0x3  }
0x30: {  	v3 =	vand.u32 $0x7, v3;
	v4 =	vand.u32 $0xFFFFFFC0, v61  }
0x31: {  	v3 =	vor.u32 v3, v4  }
0x32: {  	v4 =	vperm.xlane v3, v0;
	_ =	sdelay $0x1  }
0x33: {  	v4 =	vadd.s32 v1, v4;
	_ =	sdelay $0x3  }
0x34: {  	s1 =	simm.s32 $0x4100  }
0x35: {  	[tilespmem:s1], [sflag:$0x1] =	stream.indirect_vreg.gather [hbm4b:s5+s26], $0x80, v4, vm0, $0xb8;
	[tilespmem:$0x10100] =	vst v63  }
0x36: {  	s2 =	simm.s32 $0x4900;
	v3 =	vperm.xlane v3, v2  }
0x37: {  	[tilespmem:s2], [sflag:$0x1] =	stream.indirect_vreg.gather [hbm4b:s8+s26], $0x80, v4, vm0, $0xb8;
	[tilespmem:$0x10100] =	vst v63  }
0x38: {  	s4 =	simm.s32 $0x5100;
	v3 =	vadd.s32 v1, v3  }
0x39: {  	[tilespmem:s4], [sflag:$0x1] =	stream.indirect_vreg.gather [hbm4b:s9+s26], $0x80, v4, vm0, $0xb8;
	[tilespmem:$0x10100] =	vst v63  }
0x3a: {  	s11 =	simm.s32 $0x5900  }
0x3b: {  	[tilespmem:s11], [sflag:$0x1] =	stream.indirect_vreg.gather [hbm4b:s10+s26], $0x80, v4, vm0, $0xb8;
	[tilespmem:$0x10100] =	vst v63  }
0x3c: {  	s29 =	simm.s32 $0x6100  }
0x3d: {  	[tilespmem:s29], [sflag:$0x1] =	stream.indirect_vreg.gather [hbm4b:s5+s26], $0x80, v3, vm0, $0xb8;
	[tilespmem:$0x10100] =	vst v63  }
0x3e: {  	s30 =	simm.s32 $0x6900  }
0x3f: {  	[tilespmem:s30], [sflag:$0x1] =	stream.indirect_vreg.gather [hbm4b:s8+s26], $0x80, v3, vm0, $0xb8;
	[tilespmem:$0x10100] =	vst v63  }
0x40: {  	s31 =	simm.s32 $0x7100  }
0x41: {  	[tilespmem:s31], [sflag:$0x1] =	stream.indirect_vreg.gather [hbm4b:s9+s26], $0x80, v3, vm0, $0xb8;
	[tilespmem:$0x10100] =	vst v63  }
0x42: {  	s1 =	simm.s32 $0x7900  }
0x43: {  	[tilespmem:s1], [sflag:$0x1] =	stream.indirect_vreg.gather [hbm4b:s10+s26], $0x80, v3, vm0, $0xb8;
	[tilespmem:$0x10100] =	vst v63  }
0x44: {  	v3 =	vld [tilespmem:$0x80];
	_ =	sdelay $0x4  }
0x45: {  	v62 =	vshll.u32 v3, $0x3  }
0x46: {  	v3 =	vand.u32 $0x7, v3;
	v4 =	vand.u32 $0xFFFFFFC0, v62  }
0x47: {  	v3 =	vor.u32 v3, v4  }
0x48: {  	v4 =	vperm.xlane v3, v0;
	_ =	sdelay $0x1  }
0x49: {  	v4 =	vadd.s32 v1, v4;
	_ =	sdelay $0x3  }
0x4a: {  	s2 =	simm.s32 $0x8100  }
0x4b: {  	[tilespmem:s2], [sflag:$0x2] =	stream.indirect_vreg.gather [hbm4b:s5+s26], $0x80, v4, vm0, $0xb8;
	[tilespmem:$0x10100] =	vst v63  }
0x4c: {  	s4 =	simm.s32 $0x8900;
	v3 =	vperm.xlane v3, v2  }
0x4d: {  	[tilespmem:s4], [sflag:$0x2] =	stream.indirect_vreg.gather [hbm4b:s8+s26], $0x80, v4, vm0, $0xb8;
	[tilespmem:$0x10100] =	vst v63  }
0x4e: {  	s11 =	simm.s32 $0x9100;
	v3 =	vadd.s32 v1, v3  }
0x4f: {  	[tilespmem:s11], [sflag:$0x2] =	stream.indirect_vreg.gather [hbm4b:s9+s26], $0x80, v4, vm0, $0xb8;
	[tilespmem:$0x10100] =	vst v63  }
0x50: {  	s29 =	simm.s32 $0x9900  }
0x51: {  	[tilespmem:s29], [sflag:$0x2] =	stream.indirect_vreg.gather [hbm4b:s10+s26], $0x80, v4, vm0, $0xb8;
	[tilespmem:$0x10100] =	vst v63  }
0x52: {  	s30 =	simm.s32 $0xA100  }
0x53: {  	[tilespmem:s30], [sflag:$0x2] =	stream.indirect_vreg.gather [hbm4b:s5+s26], $0x80, v3, vm0, $0xb8;
	[tilespmem:$0x10100] =	vst v63  }
0x54: {  	s31 =	simm.s32 $0xA900  }
0x55: {  	[tilespmem:s31], [sflag:$0x2] =	stream.indirect_vreg.gather [hbm4b:s8+s26], $0x80, v3, vm0, $0xb8;
	[tilespmem:$0x10100] =	vst v63  }
0x56: {  	_ = 	snop  }
0x57: {  	[tilespmem:s3], [sflag:$0x2] =	stream.indirect_vreg.gather [hbm4b:s9+s26], $0x80, v3, vm0, $0xb8;
	[tilespmem:$0x10100] =	vst v63  }
0x58: {  	_ = 	snop  }
0x59: {  	[tilespmem:s13], [sflag:$0x2] =	stream.indirect_vreg.gather [hbm4b:s10+s26], $0x80, v3, vm0, $0xb8;
	[tilespmem:$0x10100] =	vst v63  }
0x5a: {  	v3 =	vld [tilespmem:$0x90];
	_ =	sdelay $0x4  }
0x5b: {  	v63 =	vshll.u32 v3, $0x3  }
0x5c: {  	v3 =	vand.u32 $0x7, v3;
	v4 =	vand.u32 $0xFFFFFFC0, v63  }
0x5d: {  	v3 =	vor.u32 v3, v4  }
0x5e: {  	v4 =	vperm.xlane v3, v0;
	_ =	sdelay $0x1  }
0x5f: {  	v4 =	vadd.s32 v1, v4;
	_ =	sdelay $0x4  }
0x60: {  	[tilespmem:s15], [sflag:$0x2] =	stream.indirect_vreg.gather [hbm4b:s5+s26], $0x80, v4, vm0, $0xb8;
	[tilespmem:$0x10100] =	vst v63  }
0x61: {  	v3 =	vperm.xlane v3, v2  }
0x62: {  	[tilespmem:s16], [sflag:$0x2] =	stream.indirect_vreg.gather [hbm4b:s8+s26], $0x80, v4, vm0, $0xb8;
	[tilespmem:$0x10100] =	vst v63  }
0x63: {  	v3 =	vadd.s32 v1, v3  }
0x64: {  	[tilespmem:s17], [sflag:$0x2] =	stream.indirect_vreg.gather [hbm4b:s9+s26], $0x80, v4, vm0, $0xb8;
	[tilespmem:$0x10100] =	vst v63  }
0x65: {  	_ = 	snop  }
0x66: {  	[tilespmem:s18], [sflag:$0x2] =	stream.indirect_vreg.gather [hbm4b:s10+s26], $0x80, v4, vm0, $0xb8;
	[tilespmem:$0x10100] =	vst v63  }
0x67: {  	_ = 	snop  }
0x68: {  	[tilespmem:s19], [sflag:$0x2] =	stream.indirect_vreg.gather [hbm4b:s5+s26], $0x80, v3, vm0, $0xb8;
	[tilespmem:$0x10100] =	vst v63  }
0x69: {  	_ = 	snop  }
0x6a: {  	[tilespmem:s20], [sflag:$0x2] =	stream.indirect_vreg.gather [hbm4b:s8+s26], $0x80, v3, vm0, $0xb8;
	[tilespmem:$0x10100] =	vst v63  }
0x6b: {  	_ = 	snop  }
0x6c: {  	[tilespmem:s21], [sflag:$0x2] =	stream.indirect_vreg.gather [hbm4b:s9+s26], $0x80, v3, vm0, $0xb8;
	[tilespmem:$0x10100] =	vst v63  }
0x6d: {  	_ = 	snop  }
0x6e: {  	[tilespmem:s22], [sflag:$0x2] =	stream.indirect_vreg.gather [hbm4b:s10+s26], $0x80, v3, vm0, $0xb8;
	[tilespmem:$0x10100] =	vst v63  }
0x6f: {  	_ =	swait.ge [sflag:s23], $0x8000  }
0x70: {  	[sflag:s23] =	ssyncset.done $0x0  }
0x71: {  	[sflag:s23] =	ssyncadd.s32 $0xFFFF8000  }
0x72: {  	_ =	swait.ge [sflag:s24], $0x8000  }
0x73: {  	[sflag:s24] =	ssyncset.done $0x0  }
0x74: {  	p0 =	por p1, p1;
	s28 =	simm.s32 $0x0;
	[sflag:s24] =	ssyncadd.s32 $0xFFFF8000  }
.LBB2_3:
0x75: {  	s0 =	sshll.u32 s28, $0xA;
	s4 =	sshll.u32 s28, $0x7  }
0x76: {  	s0 =	sand.u32 $0x6000, s0;
	s4 =	sand.u32 $0x380, s4  }
0x77: {  	s29 =	sor.u32 s0, s4;
	s4 =	sand.u32 $0x40, s26  }
0x78: {  	s11 =	sand.u32 $0x1C00, s26;
	s0 =	sor.u32 s4, s29  }
0x79: {  	s31 =	sor.u32 s11, s0  }
0x7a: {  	v8 =	vld [tilespmem:s31+$0x8130]  }
0x7b: {  	v10 =	vld [tilespmem:s31+$0x8120]  }
0x7c: {  	v7 =	vld [tilespmem:s31+$0x8100]  }
0x7d: {  	v3 =	vld [tilespmem:s31+$0x8110]  }
0x7e: {  	s1 =	simm.s32 $0x40;
	v5 =	vld [tilespmem:s31+$0x110]  }
0x7f: {  	s2 =	sand.u32 $0x40, s1;
	s0 =	simm.s32 $0x200;
	v9 =	vld [tilespmem:s31+$0x100]  }
0x80: {  	s4 =	sor.u32 s2, s29;
	s11 =	sand.u32 $0x1C00, s0;
	v11 =	vld [tilespmem:s31+$0x130]  }
0x81: {  	v12 =	vld [tilespmem:s31+$0x120];
	s30 =	sor.u32 s11, s4  }
0x82: {  	v6 =	vld [tilespmem:s30+$0x8130]  }
0x83: {  	v4 =	vld [tilespmem:s30+$0x8120];
	v13 =	vadd.f32 v3, v5  }
0x84: {  	v3 =	vld [tilespmem:s30+$0x8100];
	v14 =	vadd.f32 v7, v9  }
0x85: {  	v5 =	vld [tilespmem:s30+$0x8110];
	v9 =	vadd.f32 v8, v11;
	[tilespmem:s31+$0x110] =	vst v13  }
0x86: {  	s4 =	simm.s32 $0x4;
	s11 =	simm.s32 $0x80;
	v8 =	vadd.f32 v10, v12;
	v7 =	vld [tilespmem:s30+$0x110];
	[tilespmem:s31+$0x100] =	vst v14  }
.LBB2_4:
0x87: {  	s2 =	sand.u32 $0x40, s11;
	s4 =	sadd.s32 $0x4, s4;
	v10 =	vld [tilespmem:s30+$0x100];
	s0 =	sadd.s32 $0x200, s0;
	[tilespmem:s31+$0x130] =	vst v9;
	v9 =	vmov v6  }
0x88: {  	s1 =	sand.u32 $0x1C00, s0;
	s2 =	sor.u32 s2, s29;
	p1 =	slt.u32 s4, $0x3C;
	v11 =	vld [tilespmem:s30+$0x130];
	[tilespmem:s31+$0x120] =	vst v8;
	v8 =	vmov v4  }
0x89: {  	s31 =	smov.u32 s30;
	v12 =	vld [tilespmem:s30+$0x120];
	s30 =	sor.u32 s1, s2  }
.Ltmp0:
0x8a: {  	v6 =	vld [tilespmem:s30+$0x8130];
	(pc) =	sbr.rel @p1 .LBB2_4-.Ltmp0, $4  }
0x8b: {  	v4 =	vld [tilespmem:s30+$0x8120];
	v7 =	vadd.f32 v5, v7  }
0x8c: {  	v10 =	vadd.f32 v3, v10;
	v3 =	vld [tilespmem:s30+$0x8100]  }
0x8d: {  	v5 =	vld [tilespmem:s30+$0x8110];
	[tilespmem:s31+$0x110] =	vst v7;
	v9 =	vadd.f32 v9, v11  }
0x8e: {  	s11 =	sadd.s32 $0x40, s11;
	v7 =	vld [tilespmem:s30+$0x110];
	[tilespmem:s31+$0x100] =	vst v10;
	v8 =	vadd.f32 v8, v12  }
0x8f: {  	v10 =	vld [tilespmem:s30+$0x100];
	[tilespmem:s31+$0x130] =	vst v9  }
0x90: {  	v9 =	vld [tilespmem:s30+$0x130];
	[tilespmem:s31+$0x120] =	vst v8  }
0x91: {  	v8 =	vld [tilespmem:s30+$0x120]  }
0x92: {  	s28 =	sadd.s32 $0x1, s28  }
0x93: {  	p1 =	sne.s32 s28, $0x20;
	v5 =	vadd.f32 v5, v7  }
.Ltmp1:
0x94: {  	v3 =	vadd.f32 v3, v10;
	(pc) =	sbr.rel @p1 .LBB2_3-.Ltmp1, $4  }
0x95: {  	[tilespmem:s30+$0x110] =	vst v5;
	v63 =	vadd.f32 v6, v9  }
0x96: {  	[tilespmem:s30+$0x100] =	vst v3;
	v3 =	vadd.f32 v4, v8  }
0x97: {  	[tilespmem:s30+$0x130] =	vst v63  }
0x98: {  	[tilespmem:s30+$0x120] =	vst v3  }
0x99: {  	s0 =	sshll.u32 s25, $0x7;
	s1 =	rddreg [dreg:$0x1]  }
.Ltmp2:
0x9a: {  	s31 =	simm.s32 $0x0;
	s0 =	sadd.s32 s1, s0;
	(pc) =	sbr.rel @p0 .LBB2_2-.Ltmp2, $4  }
0x9b: {  	[hbm4b:s0+s31] =	stream.linear.scatter [tilespmem:s14], [sflag:$0x3], $0x8000, $0x38;
	[tilespmem:$0x10100] =	vst v63  }
0x9c: {  	_ =	swait.ge [sflag:s12], $0x8000  }
0x9d: {  	[sflag:s12] =	ssyncset.done $0x0  }
0x9e: {  	p1 =	por $0x0, $0x0;
	s0 =	simm.s32 $0x20;
	[sflag:s12] =	ssyncadd.s32 $0xFFFF8000  }
0x9f: {  	s1 =	rddreg [dreg:$0x4]  }
0xa0: {  	s0 =	rddreg [dreg:$0x3];
	s1 =	sadd.s32 $0x1, s1  }
0xa1: {  	p0 =	sne.s32 s1, s0  }
.Ltmp3:
0xa2: {  	_ = 	snop;
	(pc) =	sbr.rel @p0 .LBB2_1-.Ltmp3, $1  }
0xa3: {  	_ =	sdelay $0x3  }
0xa4: {  	_ =	sfence.sel $0x180000  }
0xa5: {  	[bflag:$0x0] =	sbarrier.arrive $0xFFFF  }
0xa6: {  	_ =	strace $0x9000004A  }
0xa7: {  	s0 =	stileid.u32;
	[bflag:$0x2] =	sbarrier.arrive $0xFFFF  }
0xa8: {  	p0 =	sne.s32 s0, $0x0;
	s0 =	rddreg [dreg:$0x2]  }
0xa9: {  	s0 =	sadd.s32 @!p0 $0x100000, s0  }
0xaa: {  	[sflag:s0] =	ssyncadd.tile.s32 @!p0 $0x1;
	_ =	shalt  }
.Lfunc_end2:
_tile_overlayer_lowered:
.L_overlay_start_2:
0xab: {  	(tag) =	ssettag $0x2  }
0xac: {  	s0 =	rddreg [dreg:$0x0];
	s2 =	stileid.u32  }
0xad: {  	s1 =	rddreg [dreg:$0x1];
	p0 =	sne.s32 s2, $0x0  }
0xae: {  	s3 =	rddreg [dreg:$0x2];
	[bflag:$0x3] =	sbarrier.arrive $0xFFFF;
	s2 =	simm.s32 @!p0 $0x1C03  }
0xaf: {  	[timem:s3], [sflag:s2] =	dma.local @!p0 [hbm:s0], s1  }
0xb0: {  	s0 =	simm.s32 @!p0 $0x3  }
0xb1: {  	_ =	swait.ge @!p0 [sflag:s0], s1  }
0xb2: {  	s1 =	ssub.s32 @!p0 $0x0, s1;
	[sflag:s0] =	ssyncset.done @!p0 $0x0  }
0xb3: {  	[sflag:s0] =	ssyncadd.s32 @!p0 s1  }
0xb4: {  	[bflag:$0x3] =	sbarrier.arrive $0xFFFF  }
0xb5: {  	_ =	shalt  }

</sc_bundles>
